<compile_context>
chip_gen: v7x
topology: tpu7x:2x2x1
jax: 0.10.2.dev20260603
libtpu: 0.0.44.dev20260713+nightly
codegen_flags: <defaults>
</compile_context>

<pallas_src>
import functools

import jax
import jax.numpy as jnp
from jax import lax
from jax.experimental import pallas as pl
from jax.experimental.pallas import tpu as pltpu
from jax.experimental.pallas import tpu_sc as plsc

ROWS = 16384
COLS = 2048
TOTAL = 12 * (16 + 32 + 64 + 128)
LANES = 16
N_CHUNK = TOTAL // LANES
NW = 32
RPW = ROWS // NW
R = 8
NB = RPW // R
DEPTH = 3


@jax.jit
def _sc_gather(input_tensor, col_idx):
    mesh = plsc.VectorSubcoreMesh(core_axis_name="c", subcore_axis_name="s")

    @functools.partial(
        pl.kernel,
        out_type=jax.ShapeDtypeStruct((ROWS, TOTAL), jnp.float32),
        mesh=mesh,
        compiler_params=pltpu.CompilerParams(needs_layout_passes=False),
        scratch_types=[
            pltpu.VMEM((TOTAL,), jnp.int32),
            pltpu.VMEM((R, COLS), jnp.float32),
            pltpu.VMEM((R, COLS), jnp.float32),
            pltpu.VMEM((R, COLS), jnp.float32),
            pltpu.VMEM((R, TOTAL), jnp.float32),
            pltpu.VMEM((R, TOTAL), jnp.float32),
            pltpu.VMEM((R, TOTAL), jnp.float32),
            pltpu.SemaphoreType.DMA((DEPTH,)),
            pltpu.SemaphoreType.DMA((DEPTH,)),
        ],
    )
    def k(in_hbm, idx_hbm, out_hbm, idx_v, in_v0, in_v1, in_v2,
          out_v0, out_v1, out_v2, sin, sout):
        in_bufs = (in_v0, in_v1, in_v2)
        out_bufs = (out_v0, out_v1, out_v2)
        wid = lax.axis_index("s") * 2 + lax.axis_index("c")
        row0 = wid * RPW
        pltpu.sync_copy(idx_hbm, idx_v)
        pltpu.async_copy(in_hbm.at[pl.ds(row0, R)], in_v0, sin.at[0])
        pltpu.async_copy(in_hbm.at[pl.ds(row0 + R, R)], in_v1, sin.at[1])

        def step(b, ph):
            buf = ph
            pltpu.make_async_copy(
                in_hbm.at[pl.ds(0, R)], in_bufs[buf], sin.at[buf]
            ).wait()

            @pl.when(b + 2 < NB)
            def _():
                nxt = (ph + 2) % DEPTH
                pltpu.async_copy(
                    in_hbm.at[pl.ds(row0 + (b + 2) * R, R)],
                    in_bufs[nxt],
                    sin.at[nxt],
                )

            @pl.when(b >= DEPTH)
            def _():
                pltpu.make_async_copy(
                    out_bufs[buf], out_hbm.at[pl.ds(0, R)], sout.at[buf]
                ).wait()

            @plsc.parallel_loop(0, N_CHUNK, unroll=4)
            def _chunk(c):
                cv = idx_v[pl.ds(c * LANES, LANES)]
                for r in range(R):
                    rv = jnp.full((LANES,), r, jnp.int32)
                    out_bufs[buf][r, pl.ds(c * LANES, LANES)] = (
                        plsc.load_gather(in_bufs[buf], [rv, cv])
                    )

            pltpu.async_copy(
                out_bufs[buf],
                out_hbm.at[pl.ds(row0 + b * R, R)],
                sout.at[buf],
            )

        @pl.loop(0, NB // DEPTH)
        def _round(t):
            for ph in range(DEPTH):
                step(DEPTH * t + ph, ph)

        for b in range(DEPTH * (NB // DEPTH), NB):
            step(b, b % DEPTH)

        for buf in range(DEPTH):
            pltpu.make_async_copy(
                out_bufs[buf], out_hbm.at[pl.ds(0, R)], sout.at[buf]
            ).wait()

    return k(input_tensor, col_idx)


def kernel(input_tensor, slices):
    starts = slices[:, 0].astype(jnp.int32)
    ends = slices[:, 1].astype(jnp.int32)
    lengths = ends - starts
    cum_ends = jnp.cumsum(lengths)
    cum_starts = cum_ends - lengths
    j = jnp.arange(TOTAL, dtype=jnp.int32)
    delta = starts - cum_starts
    ddelta = delta[1:] - delta[:-1]
    steps = jnp.where(
        cum_ends[:-1, None] <= j[None, :], ddelta[:, None], 0
    )
    col_idx = j + delta[0] + jnp.sum(steps, axis=0, dtype=jnp.int32)
    return _sc_gather(input_tensor, col_idx)

# --- scband reference (transcript-rebuilt; emitter-appended) ---
"""Pipeline reference for scband-fuse-slice-cat-same-input-module-37469294690920 (READ-ONLY COPY).

The authoritative reference and input builder live on the scoring server;
editing this copy changes nothing except your own understanding.
"""

import jax, jax.numpy as jnp
import numpy as np


def _make_slices():
    # 48 slices over 2048 columns, lengths drawn from {16, 32, 64, 128}
    # -> 4 distinct length categories (< 7, as required by the module),
    # each length < 20000, total output width = 12*(16+32+64+128) = 2880.
    rng = np.random.default_rng(0)
    lengths = np.repeat(np.array([16, 32, 64, 128], dtype=np.int64), 12)
    rng.shuffle(lengths)
    starts = np.array([rng.integers(0, 2048 - int(l) + 1) for l in lengths], dtype=np.int64)
    ends = starts + lengths
    return np.stack([starts, ends], axis=1).astype(np.int64)


def setup_inputs(seed: int = 0) -> dict:
    key = jax.random.key(seed)
    input_tensor = jax.random.normal(key, (16384, 2048), dtype=jnp.float32)
    slices = jnp.asarray(_make_slices())
    return {"input_tensor": input_tensor, "slices": slices}


def reference(input_tensor, slices):
    # The NPU op torch_npu_triton.fused_slice_cat is semantically
    #   torch.cat([input_tensor[:, s:e] for (s, e) in slices], dim=1)
    # i.e. a column gather with the concatenated per-slice column indices.
    starts = slices[:, 0].astype(jnp.int32)
    ends = slices[:, 1].astype(jnp.int32)
    lengths = ends - starts
    cum_ends = jnp.cumsum(lengths)
    cum_starts = cum_ends - lengths
    # total output width is fixed by construction: 12*(16+32+64+128)
    total = 12 * (16 + 32 + 64 + 128)
    j = jnp.arange(total, dtype=jnp.int32)
    seg = jnp.searchsorted(cum_ends, j, side="right")
    col_idx = (starts[seg] + (j - cum_starts[seg])).astype(jnp.int32)
    # gather -> maps to SparseCore-friendly take along the column axis
    return jnp.take(input_tensor, col_idx, axis=1)

if __name__ == "__main__":
    import jax
    _d = setup_inputs()
    print(jax.jit(kernel)(*tuple(_d.values())))

</pallas_src>

<mosaic_0001>
#map = affine_map<(d0, d1) -> (0, 0)>
#map1 = affine_map<(d0, d1) -> (0)>
module attributes {stable_mosaic.version = 14 : i64} {
  func.func @k(%arg0: i32, %arg1: i32, %arg2: memref<16384x2048xf32, #tpu.memory_space<hbm>>, %arg3: memref<2880xi32, #tpu.memory_space<hbm>>, %arg4: memref<16384x2880xf32, #tpu.memory_space<hbm>>, %arg5: memref<2880xi32, #tpu.memory_space<vmem>>, %arg6: memref<8x2048xf32, #tpu.memory_space<vmem>>, %arg7: memref<8x2048xf32, #tpu.memory_space<vmem>>, %arg8: memref<8x2048xf32, #tpu.memory_space<vmem>>, %arg9: memref<8x2880xf32, #tpu.memory_space<vmem>>, %arg10: memref<8x2880xf32, #tpu.memory_space<vmem>>, %arg11: memref<8x2880xf32, #tpu.memory_space<vmem>>, %arg12: memref<3x!tpu.dma_semaphore, #tpu.memory_space<semaphore_mem>>, %arg13: memref<3x!tpu.dma_semaphore, #tpu.memory_space<semaphore_mem>>) attributes {dimension_semantics = [#tpu.dimension_semantics<core_parallel>, #tpu.dimension_semantics<subcore_parallel>], iteration_bounds = array<i64: 2, 16>, scalar_prefetch = 0 : i64, scratch_operands = 9 : i64, tpu.core_type = #tpu.core_type<sc_vector_subcore>, window_params = [{transform_indices = #map}, {transform_indices = #map1}, {transform_indices = #map}]} {
    %mul3A = arith.constant 2 : i32
    %mul3A_0 = arith.muli %arg1, %mul3A : i32
    %add3A = arith.addi %mul3A_0, %arg0 : i32
    %mul3A_1 = arith.constant 512 : i32
    %mul3A_2 = arith.muli %add3A, %mul3A_1 : i32
    "tpu.region"() ({
      %run_scoped3A = tpu.sem_alloc : memref<!tpu.dma_semaphore, #tpu.memory_space<semaphore_mem>>
      tpu.enqueue_dma source(%arg3 : memref<2880xi32, #tpu.memory_space<hbm>>) target(%arg5 : memref<2880xi32, #tpu.memory_space<vmem>>) target_semaphore(%run_scoped3A : memref<!tpu.dma_semaphore, #tpu.memory_space<semaphore_mem>>)
      tpu.wait_dma2 semaphore(%run_scoped3A : memref<!tpu.dma_semaphore, #tpu.memory_space<semaphore_mem>>) src(%arg3 : memref<2880xi32, #tpu.memory_space<hbm>>) dst(%arg5 : memref<2880xi32, #tpu.memory_space<vmem>>)
      tpu.yield
    }) : () -> ()
    %dma_start3A = arith.constant 0 : i32
    %dma_start3A_3 = arith.constant 0 : i32
    %dma_start3A_4 = tpu.memref_slice %arg2[%mul3A_2, %dma_start3A_3] : memref<16384x2048xf32, #tpu.memory_space<hbm>> -> memref<8x2048xf32, #tpu.memory_space<hbm>>
    %dma_start3A_5 = tpu.memref_slice %arg12[%dma_start3A] : memref<3x!tpu.dma_semaphore, #tpu.memory_space<semaphore_mem>> -> memref<1x!tpu.dma_semaphore, #tpu.memory_space<semaphore_mem>>
    %dma_start3A_6 = tpu.memref_squeeze %dma_start3A_5 : memref<1x!tpu.dma_semaphore, #tpu.memory_space<semaphore_mem>> -> memref<!tpu.dma_semaphore, #tpu.memory_space<semaphore_mem>>
    %dma_start3A_7 = arith.constant 0 : i32
    %dma_start3A_8 = tpu.memref_slice %arg2[%mul3A_2, %dma_start3A_7] : memref<16384x2048xf32, #tpu.memory_space<hbm>> -> memref<8x2048xf32, #tpu.memory_space<hbm>>
    tpu.enqueue_dma source(%dma_start3A_8 : memref<8x2048xf32, #tpu.memory_space<hbm>>) target(%arg6 : memref<8x2048xf32, #tpu.memory_space<vmem>>) target_semaphore(%dma_start3A_6 : memref<!tpu.dma_semaphore, #tpu.memory_space<semaphore_mem>>)
    %add3A_9 = arith.constant 8 : i32
    %add3A_10 = arith.addi %mul3A_2, %add3A_9 : i32
    %dma_start3A_11 = arith.constant 1 : i32
    %dma_start3A_12 = arith.constant 0 : i32
    %dma_start3A_13 = tpu.memref_slice %arg2[%add3A_10, %dma_start3A_12] : memref<16384x2048xf32, #tpu.memory_space<hbm>> -> memref<8x2048xf32, #tpu.memory_space<hbm>>
    %dma_start3A_14 = tpu.memref_slice %arg12[%dma_start3A_11] : memref<3x!tpu.dma_semaphore, #tpu.memory_space<semaphore_mem>> -> memref<1x!tpu.dma_semaphore, #tpu.memory_space<semaphore_mem>>
    %dma_start3A_15 = tpu.memref_squeeze %dma_start3A_14 : memref<1x!tpu.dma_semaphore, #tpu.memory_space<semaphore_mem>> -> memref<!tpu.dma_semaphore, #tpu.memory_space<semaphore_mem>>
    %dma_start3A_16 = arith.constant 0 : i32
    %dma_start3A_17 = tpu.memref_slice %arg2[%add3A_10, %dma_start3A_16] : memref<16384x2048xf32, #tpu.memory_space<hbm>> -> memref<8x2048xf32, #tpu.memory_space<hbm>>
    tpu.enqueue_dma source(%dma_start3A_17 : memref<8x2048xf32, #tpu.memory_space<hbm>>) target(%arg7 : memref<8x2048xf32, #tpu.memory_space<vmem>>) target_semaphore(%dma_start3A_15 : memref<!tpu.dma_semaphore, #tpu.memory_space<semaphore_mem>>)
    %scan3A = arith.constant 0 : i32
    %scan3A_18 = arith.constant 21 : i32
    %scan3A_19 = arith.addi %scan3A, %scan3A_18 : i32
    %scan3A_20 = arith.constant 1 : i32
    scf.for %scan3A_77 = %scan3A to %scan3A_19 step %scan3A_20  : i32 {
      %mul3A_78 = arith.constant 1 : i32
      %mul3A_79 = arith.muli %scan3A_77, %mul3A_78 : i32
      %add3A_80 = arith.constant 0 : i32
      %add3A_81 = arith.addi %add3A_80, %mul3A_79 : i32
      %mul3A_82 = arith.constant 3 : i32
      %mul3A_83 = arith.muli %mul3A_82, %add3A_81 : i32
      %add3A_84 = arith.constant 0 : i32
      %add3A_85 = arith.addi %mul3A_83, %add3A_84 : i32
      %dma_wait3A_86 = arith.constant 0 : i32
      %dma_wait3A_87 = arith.constant 0 : i32
      %dma_wait3A_88 = arith.constant 0 : i32
      %dma_wait3A_89 = tpu.memref_slice %arg2[%dma_wait3A_87, %dma_wait3A_88] : memref<16384x2048xf32, #tpu.memory_space<hbm>> -> memref<8x2048xf32, #tpu.memory_space<hbm>>
      %dma_wait3A_90 = tpu.memref_slice %arg12[%dma_wait3A_86] : memref<3x!tpu.dma_semaphore, #tpu.memory_space<semaphore_mem>> -> memref<1x!tpu.dma_semaphore, #tpu.memory_space<semaphore_mem>>
      %dma_wait3A_91 = tpu.memref_squeeze %dma_wait3A_90 : memref<1x!tpu.dma_semaphore, #tpu.memory_space<semaphore_mem>> -> memref<!tpu.dma_semaphore, #tpu.memory_space<semaphore_mem>>
      %dma_wait3A_92 = arith.constant 0 : i32
      %dma_wait3A_93 = arith.constant 0 : i32
      %dma_wait3A_94 = tpu.memref_slice %arg2[%dma_wait3A_92, %dma_wait3A_93] : memref<16384x2048xf32, #tpu.memory_space<hbm>> -> memref<8x2048xf32, #tpu.memory_space<hbm>>
      tpu.wait_dma2 semaphore(%dma_wait3A_91 : memref<!tpu.dma_semaphore, #tpu.memory_space<semaphore_mem>>) src(%dma_wait3A_94 : memref<8x2048xf32, #tpu.memory_space<hbm>>) dst(%arg6 : memref<8x2048xf32, #tpu.memory_space<vmem>>)
      %add3A_95 = arith.constant 2 : i32
      %add3A_96 = arith.addi %add3A_85, %add3A_95 : i32
      %lt3A = arith.constant 64 : i32
      %lt3A_97 = arith.cmpi slt, %add3A_96, %lt3A : i32
      %convert_element_type3A = arith.extui %lt3A_97 : i1 to i32
      %cond3A = arith.constant 0 : i32
      %cond3A_98 = arith.cmpi ne, %convert_element_type3A, %cond3A : i32
      scf.if %cond3A_98 {
        %add3A_192 = arith.constant 2 : i32
        %add3A_193 = arith.addi %add3A_85, %add3A_192 : i32
        %mul3A_194 = arith.constant 8 : i32
        %mul3A_195 = arith.muli %add3A_193, %mul3A_194 : i32
        %add3A_196 = arith.addi %mul3A_2, %mul3A_195 : i32
        %dma_start3A_197 = arith.constant 2 : i32
        %dma_start3A_198 = arith.constant 0 : i32
        %dma_start3A_199 = tpu.memref_slice %arg2[%add3A_196, %dma_start3A_198] : memref<16384x2048xf32, #tpu.memory_space<hbm>> -> memref<8x2048xf32, #tpu.memory_space<hbm>>
        %dma_start3A_200 = tpu.memref_slice %arg12[%dma_start3A_197] : memref<3x!tpu.dma_semaphore, #tpu.memory_space<semaphore_mem>> -> memref<1x!tpu.dma_semaphore, #tpu.memory_space<semaphore_mem>>
        %dma_start3A_201 = tpu.memref_squeeze %dma_start3A_200 : memref<1x!tpu.dma_semaphore, #tpu.memory_space<semaphore_mem>> -> memref<!tpu.dma_semaphore, #tpu.memory_space<semaphore_mem>>
        %dma_start3A_202 = arith.constant 0 : i32
        %dma_start3A_203 = tpu.memref_slice %arg2[%add3A_196, %dma_start3A_202] : memref<16384x2048xf32, #tpu.memory_space<hbm>> -> memref<8x2048xf32, #tpu.memory_space<hbm>>
        tpu.enqueue_dma source(%dma_start3A_203 : memref<8x2048xf32, #tpu.memory_space<hbm>>) target(%arg8 : memref<8x2048xf32, #tpu.memory_space<vmem>>) target_semaphore(%dma_start3A_201 : memref<!tpu.dma_semaphore, #tpu.memory_space<semaphore_mem>>)
      } else {
      }
      %ge3A = arith.constant 3 : i32
      %ge3A_99 = arith.cmpi sge, %add3A_85, %ge3A : i32
      %convert_element_type3A_100 = arith.extui %ge3A_99 : i1 to i32
      %cond3A_101 = arith.constant 0 : i32
      %cond3A_102 = arith.cmpi ne, %convert_element_type3A_100, %cond3A_101 : i32
      scf.if %cond3A_102 {
        %dma_wait3A_192 = arith.constant 0 : i32
        %dma_wait3A_193 = arith.constant 0 : i32
        %dma_wait3A_194 = arith.constant 0 : i32
        %dma_wait3A_195 = tpu.memref_slice %arg4[%dma_wait3A_193, %dma_wait3A_194] : memref<16384x2880xf32, #tpu.memory_space<hbm>> -> memref<8x2880xf32, #tpu.memory_space<hbm>>
        %dma_wait3A_196 = tpu.memref_slice %arg13[%dma_wait3A_192] : memref<3x!tpu.dma_semaphore, #tpu.memory_space<semaphore_mem>> -> memref<1x!tpu.dma_semaphore, #tpu.memory_space<semaphore_mem>>
        %dma_wait3A_197 = tpu.memref_squeeze %dma_wait3A_196 : memref<1x!tpu.dma_semaphore, #tpu.memory_space<semaphore_mem>> -> memref<!tpu.dma_semaphore, #tpu.memory_space<semaphore_mem>>
        %dma_wait3A_198 = arith.constant 0 : i32
        %dma_wait3A_199 = arith.constant 0 : i32
        %dma_wait3A_200 = tpu.memref_slice %arg4[%dma_wait3A_198, %dma_wait3A_199] : memref<16384x2880xf32, #tpu.memory_space<hbm>> -> memref<8x2880xf32, #tpu.memory_space<hbm>>
        tpu.wait_dma2 semaphore(%dma_wait3A_197 : memref<!tpu.dma_semaphore, #tpu.memory_space<semaphore_mem>>) src(%arg9 : memref<8x2880xf32, #tpu.memory_space<vmem>>) dst(%dma_wait3A_200 : memref<8x2880xf32, #tpu.memory_space<hbm>>)
      } else {
      }
      %parallel_loop3A_103 = arith.constant 0 : i32
      %parallel_loop3A_104 = arith.constant 180 : i32
      %parallel_loop3A_105 = arith.constant 1 : i32
      scf.for %parallel_loop3A_192 = %parallel_loop3A_103 to %parallel_loop3A_104 step %parallel_loop3A_105  : i32 {
        %parallel_loop3A_193 = arith.constant 16 : i32
        %parallel_loop3A_194 = arith.muli %parallel_loop3A_192, %parallel_loop3A_193 : i32
        %parallel_loop3A_195 = arith.index_cast %parallel_loop3A_194 : i32 to index
        %parallel_loop3A_196 = tpu.vector_load %arg5[%parallel_loop3A_195] {strides = array<i32>} : memref<2880xi32, #tpu.memory_space<vmem>>, vector<16xi32>,
        %parallel_loop3A_197 = arith.constant 0 : i32
        %parallel_loop3A_198 = vector.broadcast %parallel_loop3A_197 : i32 to vector<16xi32>
        %parallel_loop3A_199 = tpu.vector_load_idx %arg6[%parallel_loop3A_198, %parallel_loop3A_196] : memref<8x2048xf32, #tpu.memory_space<vmem>>[vector<16xi32>, vector<16xi32>], vector<16xf32>,
        %parallel_loop3A_200 = arith.constant 16 : i32
        %parallel_loop3A_201 = arith.muli %parallel_loop3A_192, %parallel_loop3A_200 : i32
        %parallel_loop3A_202 = arith.constant 0 : i32
        %parallel_loop3A_203 = arith.index_cast %parallel_loop3A_202 : i32 to index
        %parallel_loop3A_204 = arith.index_cast %parallel_loop3A_201 : i32 to index
        %parallel_loop3A_205 = tpu.vector_load %arg9[%parallel_loop3A_203, %parallel_loop3A_204] {strides = array<i32>} : memref<8x2880xf32, #tpu.memory_space<vmem>>, vector<16xf32>,
        tpu.vector_store %arg9[%parallel_loop3A_203, %parallel_loop3A_204], %parallel_loop3A_199 {strides = array<i32>} : memref<8x2880xf32, #tpu.memory_space<vmem>>, vector<16xf32>,
        %parallel_loop3A_206 = arith.constant 1 : i32
        %parallel_loop3A_207 = vector.broadcast %parallel_loop3A_206 : i32 to vector<16xi32>
        %parallel_loop3A_208 = tpu.vector_load_idx %arg6[%parallel_loop3A_207, %parallel_loop3A_196] : memref<8x2048xf32, #tpu.memory_space<vmem>>[vector<16xi32>, vector<16xi32>], vector<16xf32>,
        %parallel_loop3A_209 = arith.constant 16 : i32
        %parallel_loop3A_210 = arith.muli %parallel_loop3A_192, %parallel_loop3A_209 : i32
        %parallel_loop3A_211 = arith.constant 1 : i32
        %parallel_loop3A_212 = arith.index_cast %parallel_loop3A_211 : i32 to index
        %parallel_loop3A_213 = arith.index_cast %parallel_loop3A_210 : i32 to index
        %parallel_loop3A_214 = tpu.vector_load %arg9[%parallel_loop3A_212, %parallel_loop3A_213] {strides = array<i32>} : memref<8x2880xf32, #tpu.memory_space<vmem>>, vector<16xf32>,
        tpu.vector_store %arg9[%parallel_loop3A_212, %parallel_loop3A_213], %parallel_loop3A_208 {strides = array<i32>} : memref<8x2880xf32, #tpu.memory_space<vmem>>, vector<16xf32>,
        %parallel_loop3A_215 = arith.constant 2 : i32
        %parallel_loop3A_216 = vector.broadcast %parallel_loop3A_215 : i32 to vector<16xi32>
        %parallel_loop3A_217 = tpu.vector_load_idx %arg6[%parallel_loop3A_216, %parallel_loop3A_196] : memref<8x2048xf32, #tpu.memory_space<vmem>>[vector<16xi32>, vector<16xi32>], vector<16xf32>,
        %parallel_loop3A_218 = arith.constant 16 : i32
        %parallel_loop3A_219 = arith.muli %parallel_loop3A_192, %parallel_loop3A_218 : i32
        %parallel_loop3A_220 = arith.constant 2 : i32
        %parallel_loop3A_221 = arith.index_cast %parallel_loop3A_220 : i32 to index
        %parallel_loop3A_222 = arith.index_cast %parallel_loop3A_219 : i32 to index
        %parallel_loop3A_223 = tpu.vector_load %arg9[%parallel_loop3A_221, %parallel_loop3A_222] {strides = array<i32>} : memref<8x2880xf32, #tpu.memory_space<vmem>>, vector<16xf32>,
        tpu.vector_store %arg9[%parallel_loop3A_221, %parallel_loop3A_222], %parallel_loop3A_217 {strides = array<i32>} : memref<8x2880xf32, #tpu.memory_space<vmem>>, vector<16xf32>,
        %parallel_loop3A_224 = arith.constant 3 : i32
        %parallel_loop3A_225 = vector.broadcast %parallel_loop3A_224 : i32 to vector<16xi32>
        %parallel_loop3A_226 = tpu.vector_load_idx %arg6[%parallel_loop3A_225, %parallel_loop3A_196] : memref<8x2048xf32, #tpu.memory_space<vmem>>[vector<16xi32>, vector<16xi32>], vector<16xf32>,
        %parallel_loop3A_227 = arith.constant 16 : i32
        %parallel_loop3A_228 = arith.muli %parallel_loop3A_192, %parallel_loop3A_227 : i32
        %parallel_loop3A_229 = arith.constant 3 : i32
        %parallel_loop3A_230 = arith.index_cast %parallel_loop3A_229 : i32 to index
        %parallel_loop3A_231 = arith.index_cast %parallel_loop3A_228 : i32 to index
        %parallel_loop3A_232 = tpu.vector_load %arg9[%parallel_loop3A_230, %parallel_loop3A_231] {strides = array<i32>} : memref<8x2880xf32, #tpu.memory_space<vmem>>, vector<16xf32>,
        tpu.vector_store %arg9[%parallel_loop3A_230, %parallel_loop3A_231], %parallel_loop3A_226 {strides = array<i32>} : memref<8x2880xf32, #tpu.memory_space<vmem>>, vector<16xf32>,
        %parallel_loop3A_233 = arith.constant 4 : i32
        %parallel_loop3A_234 = vector.broadcast %parallel_loop3A_233 : i32 to vector<16xi32>
        %parallel_loop3A_235 = tpu.vector_load_idx %arg6[%parallel_loop3A_234, %parallel_loop3A_196] : memref<8x2048xf32, #tpu.memory_space<vmem>>[vector<16xi32>, vector<16xi32>], vector<16xf32>,
        %parallel_loop3A_236 = arith.constant 16 : i32
        %parallel_loop3A_237 = arith.muli %parallel_loop3A_192, %parallel_loop3A_236 : i32
        %parallel_loop3A_238 = arith.constant 4 : i32
        %parallel_loop3A_239 = arith.index_cast %parallel_loop3A_238 : i32 to index
        %parallel_loop3A_240 = arith.index_cast %parallel_loop3A_237 : i32 to index
        %parallel_loop3A_241 = tpu.vector_load %arg9[%parallel_loop3A_239, %parallel_loop3A_240] {strides = array<i32>} : memref<8x2880xf32, #tpu.memory_space<vmem>>, vector<16xf32>,
        tpu.vector_store %arg9[%parallel_loop3A_239, %parallel_loop3A_240], %parallel_loop3A_235 {strides = array<i32>} : memref<8x2880xf32, #tpu.memory_space<vmem>>, vector<16xf32>,
        %parallel_loop3A_242 = arith.constant 5 : i32
        %parallel_loop3A_243 = vector.broadcast %parallel_loop3A_242 : i32 to vector<16xi32>
        %parallel_loop3A_244 = tpu.vector_load_idx %arg6[%parallel_loop3A_243, %parallel_loop3A_196] : memref<8x2048xf32, #tpu.memory_space<vmem>>[vector<16xi32>, vector<16xi32>], vector<16xf32>,
        %parallel_loop3A_245 = arith.constant 16 : i32
        %parallel_loop3A_246 = arith.muli %parallel_loop3A_192, %parallel_loop3A_245 : i32
        %parallel_loop3A_247 = arith.constant 5 : i32
        %parallel_loop3A_248 = arith.index_cast %parallel_loop3A_247 : i32 to index
        %parallel_loop3A_249 = arith.index_cast %parallel_loop3A_246 : i32 to index
        %parallel_loop3A_250 = tpu.vector_load %arg9[%parallel_loop3A_248, %parallel_loop3A_249] {strides = array<i32>} : memref<8x2880xf32, #tpu.memory_space<vmem>>, vector<16xf32>,
        tpu.vector_store %arg9[%parallel_loop3A_248, %parallel_loop3A_249], %parallel_loop3A_244 {strides = array<i32>} : memref<8x2880xf32, #tpu.memory_space<vmem>>, vector<16xf32>,
        %parallel_loop3A_251 = arith.constant 6 : i32
        %parallel_loop3A_252 = vector.broadcast %parallel_loop3A_251 : i32 to vector<16xi32>
        %parallel_loop3A_253 = tpu.vector_load_idx %arg6[%parallel_loop3A_252, %parallel_loop3A_196] : memref<8x2048xf32, #tpu.memory_space<vmem>>[vector<16xi32>, vector<16xi32>], vector<16xf32>,
        %parallel_loop3A_254 = arith.constant 16 : i32
        %parallel_loop3A_255 = arith.muli %parallel_loop3A_192, %parallel_loop3A_254 : i32
        %parallel_loop3A_256 = arith.constant 6 : i32
        %parallel_loop3A_257 = arith.index_cast %parallel_loop3A_256 : i32 to index
        %parallel_loop3A_258 = arith.index_cast %parallel_loop3A_255 : i32 to index
        %parallel_loop3A_259 = tpu.vector_load %arg9[%parallel_loop3A_257, %parallel_loop3A_258] {strides = array<i32>} : memref<8x2880xf32, #tpu.memory_space<vmem>>, vector<16xf32>,
        tpu.vector_store %arg9[%parallel_loop3A_257, %parallel_loop3A_258], %parallel_loop3A_253 {strides = array<i32>} : memref<8x2880xf32, #tpu.memory_space<vmem>>, vector<16xf32>,
        %parallel_loop3A_260 = arith.constant 7 : i32
        %parallel_loop3A_261 = vector.broadcast %parallel_loop3A_260 : i32 to vector<16xi32>
        %parallel_loop3A_262 = tpu.vector_load_idx %arg6[%parallel_loop3A_261, %parallel_loop3A_196] : memref<8x2048xf32, #tpu.memory_space<vmem>>[vector<16xi32>, vector<16xi32>], vector<16xf32>,
        %parallel_loop3A_263 = arith.constant 16 : i32
        %parallel_loop3A_264 = arith.muli %parallel_loop3A_192, %parallel_loop3A_263 : i32
        %parallel_loop3A_265 = arith.constant 7 : i32
        %parallel_loop3A_266 = arith.index_cast %parallel_loop3A_265 : i32 to index
        %parallel_loop3A_267 = arith.index_cast %parallel_loop3A_264 : i32 to index
        %parallel_loop3A_268 = tpu.vector_load %arg9[%parallel_loop3A_266, %parallel_loop3A_267] {strides = array<i32>} : memref<8x2880xf32, #tpu.memory_space<vmem>>, vector<16xf32>,
        tpu.vector_store %arg9[%parallel_loop3A_266, %parallel_loop3A_267], %parallel_loop3A_262 {strides = array<i32>} : memref<8x2880xf32, #tpu.memory_space<vmem>>, vector<16xf32>,
      } {sc.loop_unroll_factor = 4 : i64, sc.parallel_access}
      %mul3A_106 = arith.constant 8 : i32
      %mul3A_107 = arith.muli %add3A_85, %mul3A_106 : i32
      %add3A_108 = arith.addi %mul3A_2, %mul3A_107 : i32
      %dma_start3A_109 = arith.constant 0 : i32
      %dma_start3A_110 = arith.constant 0 : i32
      %dma_start3A_111 = tpu.memref_slice %arg4[%add3A_108, %dma_start3A_110] : memref<16384x2880xf32, #tpu.memory_space<hbm>> -> memref<8x2880xf32, #tpu.memory_space<hbm>>
      %dma_start3A_112 = tpu.memref_slice %arg13[%dma_start3A_109] : memref<3x!tpu.dma_semaphore, #tpu.memory_space<semaphore_mem>> -> memref<1x!tpu.dma_semaphore, #tpu.memory_space<semaphore_mem>>
      %dma_start3A_113 = tpu.memref_squeeze %dma_start3A_112 : memref<1x!tpu.dma_semaphore, #tpu.memory_space<semaphore_mem>> -> memref<!tpu.dma_semaphore, #tpu.memory_space<semaphore_mem>>
      %dma_start3A_114 = arith.constant 0 : i32
      %dma_start3A_115 = tpu.memref_slice %arg4[%add3A_108, %dma_start3A_114] : memref<16384x2880xf32, #tpu.memory_space<hbm>> -> memref<8x2880xf32, #tpu.memory_space<hbm>>
      tpu.enqueue_dma source(%arg9 : memref<8x2880xf32, #tpu.memory_space<vmem>>) target(%dma_start3A_115 : memref<8x2880xf32, #tpu.memory_space<hbm>>) target_semaphore(%dma_start3A_113 : memref<!tpu.dma_semaphore, #tpu.memory_space<semaphore_mem>>)
      %mul3A_116 = arith.constant 3 : i32
      %mul3A_117 = arith.muli %mul3A_116, %add3A_81 : i32
      %add3A_118 = arith.constant 1 : i32
      %add3A_119 = arith.addi %mul3A_117, %add3A_118 : i32
      %dma_wait3A_120 = arith.constant 1 : i32
      %dma_wait3A_121 = arith.constant 0 : i32
      %dma_wait3A_122 = arith.constant 0 : i32
      %dma_wait3A_123 = tpu.memref_slice %arg2[%dma_wait3A_121, %dma_wait3A_122] : memref<16384x2048xf32, #tpu.memory_space<hbm>> -> memref<8x2048xf32, #tpu.memory_space<hbm>>
      %dma_wait3A_124 = tpu.memref_slice %arg12[%dma_wait3A_120] : memref<3x!tpu.dma_semaphore, #tpu.memory_space<semaphore_mem>> -> memref<1x!tpu.dma_semaphore, #tpu.memory_space<semaphore_mem>>
      %dma_wait3A_125 = tpu.memref_squeeze %dma_wait3A_124 : memref<1x!tpu.dma_semaphore, #tpu.memory_space<semaphore_mem>> -> memref<!tpu.dma_semaphore, #tpu.memory_space<semaphore_mem>>
      %dma_wait3A_126 = arith.constant 0 : i32
      %dma_wait3A_127 = arith.constant 0 : i32
      %dma_wait3A_128 = tpu.memref_slice %arg2[%dma_wait3A_126, %dma_wait3A_127] : memref<16384x2048xf32, #tpu.memory_space<hbm>> -> memref<8x2048xf32, #tpu.memory_space<hbm>>
      tpu.wait_dma2 semaphore(%dma_wait3A_125 : memref<!tpu.dma_semaphore, #tpu.memory_space<semaphore_mem>>) src(%dma_wait3A_128 : memref<8x2048xf32, #tpu.memory_space<hbm>>) dst(%arg7 : memref<8x2048xf32, #tpu.memory_space<vmem>>)
      %add3A_129 = arith.constant 2 : i32
      %add3A_130 = arith.addi %add3A_119, %add3A_129 : i32
      %lt3A_131 = arith.constant 64 : i32
      %lt3A_132 = arith.cmpi slt, %add3A_130, %lt3A_131 : i32
      %convert_element_type3A_133 = arith.extui %lt3A_132 : i1 to i32
      %cond3A_134 = arith.constant 0 : i32
      %cond3A_135 = arith.cmpi ne, %convert_element_type3A_133, %cond3A_134 : i32
      scf.if %cond3A_135 {
        %add3A_192 = arith.constant 2 : i32
        %add3A_193 = arith.addi %add3A_119, %add3A_192 : i32
        %mul3A_194 = arith.constant 8 : i32
        %mul3A_195 = arith.muli %add3A_193, %mul3A_194 : i32
        %add3A_196 = arith.addi %mul3A_2, %mul3A_195 : i32
        %dma_start3A_197 = arith.constant 0 : i32
        %dma_start3A_198 = arith.constant 0 : i32
        %dma_start3A_199 = tpu.memref_slice %arg2[%add3A_196, %dma_start3A_198] : memref<16384x2048xf32, #tpu.memory_space<hbm>> -> memref<8x2048xf32, #tpu.memory_space<hbm>>
        %dma_start3A_200 = tpu.memref_slice %arg12[%dma_start3A_197] : memref<3x!tpu.dma_semaphore, #tpu.memory_space<semaphore_mem>> -> memref<1x!tpu.dma_semaphore, #tpu.memory_space<semaphore_mem>>
        %dma_start3A_201 = tpu.memref_squeeze %dma_start3A_200 : memref<1x!tpu.dma_semaphore, #tpu.memory_space<semaphore_mem>> -> memref<!tpu.dma_semaphore, #tpu.memory_space<semaphore_mem>>
        %dma_start3A_202 = arith.constant 0 : i32
        %dma_start3A_203 = tpu.memref_slice %arg2[%add3A_196, %dma_start3A_202] : memref<16384x2048xf32, #tpu.memory_space<hbm>> -> memref<8x2048xf32, #tpu.memory_space<hbm>>
        tpu.enqueue_dma source(%dma_start3A_203 : memref<8x2048xf32, #tpu.memory_space<hbm>>) target(%arg6 : memref<8x2048xf32, #tpu.memory_space<vmem>>) target_semaphore(%dma_start3A_201 : memref<!tpu.dma_semaphore, #tpu.memory_space<semaphore_mem>>)
      } else {
      }
      %ge3A_136 = arith.constant 3 : i32
      %ge3A_137 = arith.cmpi sge, %add3A_119, %ge3A_136 : i32
      %convert_element_type3A_138 = arith.extui %ge3A_137 : i1 to i32
      %cond3A_139 = arith.constant 0 : i32
      %cond3A_140 = arith.cmpi ne, %convert_element_type3A_138, %cond3A_139 : i32
      scf.if %cond3A_140 {
        %dma_wait3A_192 = arith.constant 1 : i32
        %dma_wait3A_193 = arith.constant 0 : i32
        %dma_wait3A_194 = arith.constant 0 : i32
        %dma_wait3A_195 = tpu.memref_slice %arg4[%dma_wait3A_193, %dma_wait3A_194] : memref<16384x2880xf32, #tpu.memory_space<hbm>> -> memref<8x2880xf32, #tpu.memory_space<hbm>>
        %dma_wait3A_196 = tpu.memref_slice %arg13[%dma_wait3A_192] : memref<3x!tpu.dma_semaphore, #tpu.memory_space<semaphore_mem>> -> memref<1x!tpu.dma_semaphore, #tpu.memory_space<semaphore_mem>>
        %dma_wait3A_197 = tpu.memref_squeeze %dma_wait3A_196 : memref<1x!tpu.dma_semaphore, #tpu.memory_space<semaphore_mem>> -> memref<!tpu.dma_semaphore, #tpu.memory_space<semaphore_mem>>
        %dma_wait3A_198 = arith.constant 0 : i32
        %dma_wait3A_199 = arith.constant 0 : i32
        %dma_wait3A_200 = tpu.memref_slice %arg4[%dma_wait3A_198, %dma_wait3A_199] : memref<16384x2880xf32, #tpu.memory_space<hbm>> -> memref<8x2880xf32, #tpu.memory_space<hbm>>
        tpu.wait_dma2 semaphore(%dma_wait3A_197 : memref<!tpu.dma_semaphore, #tpu.memory_space<semaphore_mem>>) src(%arg10 : memref<8x2880xf32, #tpu.memory_space<vmem>>) dst(%dma_wait3A_200 : memref<8x2880xf32, #tpu.memory_space<hbm>>)
      } else {
      }
      %parallel_loop3A_141 = arith.constant 0 : i32
      %parallel_loop3A_142 = arith.constant 180 : i32
      %parallel_loop3A_143 = arith.constant 1 : i32
      scf.for %parallel_loop3A_192 = %parallel_loop3A_141 to %parallel_loop3A_142 step %parallel_loop3A_143  : i32 {
        %parallel_loop3A_193 = arith.constant 16 : i32
        %parallel_loop3A_194 = arith.muli %parallel_loop3A_192, %parallel_loop3A_193 : i32
        %parallel_loop3A_195 = arith.index_cast %parallel_loop3A_194 : i32 to index
        %parallel_loop3A_196 = tpu.vector_load %arg5[%parallel_loop3A_195] {strides = array<i32>} : memref<2880xi32, #tpu.memory_space<vmem>>, vector<16xi32>,
        %parallel_loop3A_197 = arith.constant 0 : i32
        %parallel_loop3A_198 = vector.broadcast %parallel_loop3A_197 : i32 to vector<16xi32>
        %parallel_loop3A_199 = tpu.vector_load_idx %arg7[%parallel_loop3A_198, %parallel_loop3A_196] : memref<8x2048xf32, #tpu.memory_space<vmem>>[vector<16xi32>, vector<16xi32>], vector<16xf32>,
        %parallel_loop3A_200 = arith.constant 16 : i32
        %parallel_loop3A_201 = arith.muli %parallel_loop3A_192, %parallel_loop3A_200 : i32
        %parallel_loop3A_202 = arith.constant 0 : i32
        %parallel_loop3A_203 = arith.index_cast %parallel_loop3A_202 : i32 to index
        %parallel_loop3A_204 = arith.index_cast %parallel_loop3A_201 : i32 to index
        %parallel_loop3A_205 = tpu.vector_load %arg10[%parallel_loop3A_203, %parallel_loop3A_204] {strides = array<i32>} : memref<8x2880xf32, #tpu.memory_space<vmem>>, vector<16xf32>,
        tpu.vector_store %arg10[%parallel_loop3A_203, %parallel_loop3A_204], %parallel_loop3A_199 {strides = array<i32>} : memref<8x2880xf32, #tpu.memory_space<vmem>>, vector<16xf32>,
        %parallel_loop3A_206 = arith.constant 1 : i32
        %parallel_loop3A_207 = vector.broadcast %parallel_loop3A_206 : i32 to vector<16xi32>
        %parallel_loop3A_208 = tpu.vector_load_idx %arg7[%parallel_loop3A_207, %parallel_loop3A_196] : memref<8x2048xf32, #tpu.memory_space<vmem>>[vector<16xi32>, vector<16xi32>], vector<16xf32>,
        %parallel_loop3A_209 = arith.constant 16 : i32
        %parallel_loop3A_210 = arith.muli %parallel_loop3A_192, %parallel_loop3A_209 : i32
        %parallel_loop3A_211 = arith.constant 1 : i32
        %parallel_loop3A_212 = arith.index_cast %parallel_loop3A_211 : i32 to index
        %parallel_loop3A_213 = arith.index_cast %parallel_loop3A_210 : i32 to index
        %parallel_loop3A_214 = tpu.vector_load %arg10[%parallel_loop3A_212, %parallel_loop3A_213] {strides = array<i32>} : memref<8x2880xf32, #tpu.memory_space<vmem>>, vector<16xf32>,
        tpu.vector_store %arg10[%parallel_loop3A_212, %parallel_loop3A_213], %parallel_loop3A_208 {strides = array<i32>} : memref<8x2880xf32, #tpu.memory_space<vmem>>, vector<16xf32>,
        %parallel_loop3A_215 = arith.constant 2 : i32
        %parallel_loop3A_216 = vector.broadcast %parallel_loop3A_215 : i32 to vector<16xi32>
        %parallel_loop3A_217 = tpu.vector_load_idx %arg7[%parallel_loop3A_216, %parallel_loop3A_196] : memref<8x2048xf32, #tpu.memory_space<vmem>>[vector<16xi32>, vector<16xi32>], vector<16xf32>,
        %parallel_loop3A_218 = arith.constant 16 : i32
        %parallel_loop3A_219 = arith.muli %parallel_loop3A_192, %parallel_loop3A_218 : i32
        %parallel_loop3A_220 = arith.constant 2 : i32
        %parallel_loop3A_221 = arith.index_cast %parallel_loop3A_220 : i32 to index
        %parallel_loop3A_222 = arith.index_cast %parallel_loop3A_219 : i32 to index
        %parallel_loop3A_223 = tpu.vector_load %arg10[%parallel_loop3A_221, %parallel_loop3A_222] {strides = array<i32>} : memref<8x2880xf32, #tpu.memory_space<vmem>>, vector<16xf32>,
        tpu.vector_store %arg10[%parallel_loop3A_221, %parallel_loop3A_222], %parallel_loop3A_217 {strides = array<i32>} : memref<8x2880xf32, #tpu.memory_space<vmem>>, vector<16xf32>,
        %parallel_loop3A_224 = arith.constant 3 : i32
        %parallel_loop3A_225 = vector.broadcast %parallel_loop3A_224 : i32 to vector<16xi32>
        %parallel_loop3A_226 = tpu.vector_load_idx %arg7[%parallel_loop3A_225, %parallel_loop3A_196] : memref<8x2048xf32, #tpu.memory_space<vmem>>[vector<16xi32>, vector<16xi32>], vector<16xf32>,
        %parallel_loop3A_227 = arith.constant 16 : i32
        %parallel_loop3A_228 = arith.muli %parallel_loop3A_192, %parallel_loop3A_227 : i32
        %parallel_loop3A_229 = arith.constant 3 : i32
        %parallel_loop3A_230 = arith.index_cast %parallel_loop3A_229 : i32 to index
        %parallel_loop3A_231 = arith.index_cast %parallel_loop3A_228 : i32 to index
        %parallel_loop3A_232 = tpu.vector_load %arg10[%parallel_loop3A_230, %parallel_loop3A_231] {strides = array<i32>} : memref<8x2880xf32, #tpu.memory_space<vmem>>, vector<16xf32>,
        tpu.vector_store %arg10[%parallel_loop3A_230, %parallel_loop3A_231], %parallel_loop3A_226 {strides = array<i32>} : memref<8x2880xf32, #tpu.memory_space<vmem>>, vector<16xf32>,
        %parallel_loop3A_233 = arith.constant 4 : i32
        %parallel_loop3A_234 = vector.broadcast %parallel_loop3A_233 : i32 to vector<16xi32>
        %parallel_loop3A_235 = tpu.vector_load_idx %arg7[%parallel_loop3A_234, %parallel_loop3A_196] : memref<8x2048xf32, #tpu.memory_space<vmem>>[vector<16xi32>, vector<16xi32>], vector<16xf32>,
        %parallel_loop3A_236 = arith.constant 16 : i32
        %parallel_loop3A_237 = arith.muli %parallel_loop3A_192, %parallel_loop3A_236 : i32
        %parallel_loop3A_238 = arith.constant 4 : i32
        %parallel_loop3A_239 = arith.index_cast %parallel_loop3A_238 : i32 to index
        %parallel_loop3A_240 = arith.index_cast %parallel_loop3A_237 : i32 to index
        %parallel_loop3A_241 = tpu.vector_load %arg10[%parallel_loop3A_239, %parallel_loop3A_240] {strides = array<i32>} : memref<8x2880xf32, #tpu.memory_space<vmem>>, vector<16xf32>,
        tpu.vector_store %arg10[%parallel_loop3A_239, %parallel_loop3A_240], %parallel_loop3A_235 {strides = array<i32>} : memref<8x2880xf32, #tpu.memory_space<vmem>>, vector<16xf32>,
        %parallel_loop3A_242 = arith.constant 5 : i32
        %parallel_loop3A_243 = vector.broadcast %parallel_loop3A_242 : i32 to vector<16xi32>
        %parallel_loop3A_244 = tpu.vector_load_idx %arg7[%parallel_loop3A_243, %parallel_loop3A_196] : memref<8x2048xf32, #tpu.memory_space<vmem>>[vector<16xi32>, vector<16xi32>], vector<16xf32>,
        %parallel_loop3A_245 = arith.constant 16 : i32
        %parallel_loop3A_246 = arith.muli %parallel_loop3A_192, %parallel_loop3A_245 : i32
        %parallel_loop3A_247 = arith.constant 5 : i32
        %parallel_loop3A_248 = arith.index_cast %parallel_loop3A_247 : i32 to index
        %parallel_loop3A_249 = arith.index_cast %parallel_loop3A_246 : i32 to index
        %parallel_loop3A_250 = tpu.vector_load %arg10[%parallel_loop3A_248, %parallel_loop3A_249] {strides = array<i32>} : memref<8x2880xf32, #tpu.memory_space<vmem>>, vector<16xf32>,
        tpu.vector_store %arg10[%parallel_loop3A_248, %parallel_loop3A_249], %parallel_loop3A_244 {strides = array<i32>} : memref<8x2880xf32, #tpu.memory_space<vmem>>, vector<16xf32>,
        %parallel_loop3A_251 = arith.constant 6 : i32
        %parallel_loop3A_252 = vector.broadcast %parallel_loop3A_251 : i32 to vector<16xi32>
        %parallel_loop3A_253 = tpu.vector_load_idx %arg7[%parallel_loop3A_252, %parallel_loop3A_196] : memref<8x2048xf32, #tpu.memory_space<vmem>>[vector<16xi32>, vector<16xi32>], vector<16xf32>,
        %parallel_loop3A_254 = arith.constant 16 : i32
        %parallel_loop3A_255 = arith.muli %parallel_loop3A_192, %parallel_loop3A_254 : i32
        %parallel_loop3A_256 = arith.constant 6 : i32
        %parallel_loop3A_257 = arith.index_cast %parallel_loop3A_256 : i32 to index
        %parallel_loop3A_258 = arith.index_cast %parallel_loop3A_255 : i32 to index
        %parallel_loop3A_259 = tpu.vector_load %arg10[%parallel_loop3A_257, %parallel_loop3A_258] {strides = array<i32>} : memref<8x2880xf32, #tpu.memory_space<vmem>>, vector<16xf32>,
        tpu.vector_store %arg10[%parallel_loop3A_257, %parallel_loop3A_258], %parallel_loop3A_253 {strides = array<i32>} : memref<8x2880xf32, #tpu.memory_space<vmem>>, vector<16xf32>,
        %parallel_loop3A_260 = arith.constant 7 : i32
        %parallel_loop3A_261 = vector.broadcast %parallel_loop3A_260 : i32 to vector<16xi32>
        %parallel_loop3A_262 = tpu.vector_load_idx %arg7[%parallel_loop3A_261, %parallel_loop3A_196] : memref<8x2048xf32, #tpu.memory_space<vmem>>[vector<16xi32>, vector<16xi32>], vector<16xf32>,
        %parallel_loop3A_263 = arith.constant 16 : i32
        %parallel_loop3A_264 = arith.muli %parallel_loop3A_192, %parallel_loop3A_263 : i32
        %parallel_loop3A_265 = arith.constant 7 : i32
        %parallel_loop3A_266 = arith.index_cast %parallel_loop3A_265 : i32 to index
        %parallel_loop3A_267 = arith.index_cast %parallel_loop3A_264 : i32 to index
        %parallel_loop3A_268 = tpu.vector_load %arg10[%parallel_loop3A_266, %parallel_loop3A_267] {strides = array<i32>} : memref<8x2880xf32, #tpu.memory_space<vmem>>, vector<16xf32>,
        tpu.vector_store %arg10[%parallel_loop3A_266, %parallel_loop3A_267], %parallel_loop3A_262 {strides = array<i32>} : memref<8x2880xf32, #tpu.memory_space<vmem>>, vector<16xf32>,
      } {sc.loop_unroll_factor = 4 : i64, sc.parallel_access}
      %mul3A_144 = arith.constant 8 : i32
      %mul3A_145 = arith.muli %add3A_119, %mul3A_144 : i32
      %add3A_146 = arith.addi %mul3A_2, %mul3A_145 : i32
      %dma_start3A_147 = arith.constant 1 : i32
      %dma_start3A_148 = arith.constant 0 : i32
      %dma_start3A_149 = tpu.memref_slice %arg4[%add3A_146, %dma_start3A_148] : memref<16384x2880xf32, #tpu.memory_space<hbm>> -> memref<8x2880xf32, #tpu.memory_space<hbm>>
      %dma_start3A_150 = tpu.memref_slice %arg13[%dma_start3A_147] : memref<3x!tpu.dma_semaphore, #tpu.memory_space<semaphore_mem>> -> memref<1x!tpu.dma_semaphore, #tpu.memory_space<semaphore_mem>>
      %dma_start3A_151 = tpu.memref_squeeze %dma_start3A_150 : memref<1x!tpu.dma_semaphore, #tpu.memory_space<semaphore_mem>> -> memref<!tpu.dma_semaphore, #tpu.memory_space<semaphore_mem>>
      %dma_start3A_152 = arith.constant 0 : i32
      %dma_start3A_153 = tpu.memref_slice %arg4[%add3A_146, %dma_start3A_152] : memref<16384x2880xf32, #tpu.memory_space<hbm>> -> memref<8x2880xf32, #tpu.memory_space<hbm>>
      tpu.enqueue_dma source(%arg10 : memref<8x2880xf32, #tpu.memory_space<vmem>>) target(%dma_start3A_153 : memref<8x2880xf32, #tpu.memory_space<hbm>>) target_semaphore(%dma_start3A_151 : memref<!tpu.dma_semaphore, #tpu.memory_space<semaphore_mem>>)
      %mul3A_154 = arith.constant 3 : i32
      %mul3A_155 = arith.muli %mul3A_154, %add3A_81 : i32
      %add3A_156 = arith.constant 2 : i32
      %add3A_157 = arith.addi %mul3A_155, %add3A_156 : i32
      %dma_wait3A_158 = arith.constant 2 : i32
      %dma_wait3A_159 = arith.constant 0 : i32
      %dma_wait3A_160 = arith.constant 0 : i32
      %dma_wait3A_161 = tpu.memref_slice %arg2[%dma_wait3A_159, %dma_wait3A_160] : memref<16384x2048xf32, #tpu.memory_space<hbm>> -> memref<8x2048xf32, #tpu.memory_space<hbm>>
      %dma_wait3A_162 = tpu.memref_slice %arg12[%dma_wait3A_158] : memref<3x!tpu.dma_semaphore, #tpu.memory_space<semaphore_mem>> -> memref<1x!tpu.dma_semaphore, #tpu.memory_space<semaphore_mem>>
      %dma_wait3A_163 = tpu.memref_squeeze %dma_wait3A_162 : memref<1x!tpu.dma_semaphore, #tpu.memory_space<semaphore_mem>> -> memref<!tpu.dma_semaphore, #tpu.memory_space<semaphore_mem>>
      %dma_wait3A_164 = arith.constant 0 : i32
      %dma_wait3A_165 = arith.constant 0 : i32
      %dma_wait3A_166 = tpu.memref_slice %arg2[%dma_wait3A_164, %dma_wait3A_165] : memref<16384x2048xf32, #tpu.memory_space<hbm>> -> memref<8x2048xf32, #tpu.memory_space<hbm>>
      tpu.wait_dma2 semaphore(%dma_wait3A_163 : memref<!tpu.dma_semaphore, #tpu.memory_space<semaphore_mem>>) src(%dma_wait3A_166 : memref<8x2048xf32, #tpu.memory_space<hbm>>) dst(%arg8 : memref<8x2048xf32, #tpu.memory_space<vmem>>)
      %add3A_167 = arith.constant 2 : i32
      %add3A_168 = arith.addi %add3A_157, %add3A_167 : i32
      %lt3A_169 = arith.constant 64 : i32
      %lt3A_170 = arith.cmpi slt, %add3A_168, %lt3A_169 : i32
      %convert_element_type3A_171 = arith.extui %lt3A_170 : i1 to i32
      %cond3A_172 = arith.constant 0 : i32
      %cond3A_173 = arith.cmpi ne, %convert_element_type3A_171, %cond3A_172 : i32
      scf.if %cond3A_173 {
        %add3A_192 = arith.constant 2 : i32
        %add3A_193 = arith.addi %add3A_157, %add3A_192 : i32
        %mul3A_194 = arith.constant 8 : i32
        %mul3A_195 = arith.muli %add3A_193, %mul3A_194 : i32
        %add3A_196 = arith.addi %mul3A_2, %mul3A_195 : i32
        %dma_start3A_197 = arith.constant 1 : i32
        %dma_start3A_198 = arith.constant 0 : i32
        %dma_start3A_199 = tpu.memref_slice %arg2[%add3A_196, %dma_start3A_198] : memref<16384x2048xf32, #tpu.memory_space<hbm>> -> memref<8x2048xf32, #tpu.memory_space<hbm>>
        %dma_start3A_200 = tpu.memref_slice %arg12[%dma_start3A_197] : memref<3x!tpu.dma_semaphore, #tpu.memory_space<semaphore_mem>> -> memref<1x!tpu.dma_semaphore, #tpu.memory_space<semaphore_mem>>
        %dma_start3A_201 = tpu.memref_squeeze %dma_start3A_200 : memref<1x!tpu.dma_semaphore, #tpu.memory_space<semaphore_mem>> -> memref<!tpu.dma_semaphore, #tpu.memory_space<semaphore_mem>>
        %dma_start3A_202 = arith.constant 0 : i32
        %dma_start3A_203 = tpu.memref_slice %arg2[%add3A_196, %dma_start3A_202] : memref<16384x2048xf32, #tpu.memory_space<hbm>> -> memref<8x2048xf32, #tpu.memory_space<hbm>>
        tpu.enqueue_dma source(%dma_start3A_203 : memref<8x2048xf32, #tpu.memory_space<hbm>>) target(%arg7 : memref<8x2048xf32, #tpu.memory_space<vmem>>) target_semaphore(%dma_start3A_201 : memref<!tpu.dma_semaphore, #tpu.memory_space<semaphore_mem>>)
      } else {
      }
      %ge3A_174 = arith.constant 3 : i32
      %ge3A_175 = arith.cmpi sge, %add3A_157, %ge3A_174 : i32
      %convert_element_type3A_176 = arith.extui %ge3A_175 : i1 to i32
      %cond3A_177 = arith.constant 0 : i32
      %cond3A_178 = arith.cmpi ne, %convert_element_type3A_176, %cond3A_177 : i32
      scf.if %cond3A_178 {
        %dma_wait3A_192 = arith.constant 2 : i32
        %dma_wait3A_193 = arith.constant 0 : i32
        %dma_wait3A_194 = arith.constant 0 : i32
        %dma_wait3A_195 = tpu.memref_slice %arg4[%dma_wait3A_193, %dma_wait3A_194] : memref<16384x2880xf32, #tpu.memory_space<hbm>> -> memref<8x2880xf32, #tpu.memory_space<hbm>>
        %dma_wait3A_196 = tpu.memref_slice %arg13[%dma_wait3A_192] : memref<3x!tpu.dma_semaphore, #tpu.memory_space<semaphore_mem>> -> memref<1x!tpu.dma_semaphore, #tpu.memory_space<semaphore_mem>>
        %dma_wait3A_197 = tpu.memref_squeeze %dma_wait3A_196 : memref<1x!tpu.dma_semaphore, #tpu.memory_space<semaphore_mem>> -> memref<!tpu.dma_semaphore, #tpu.memory_space<semaphore_mem>>
        %dma_wait3A_198 = arith.constant 0 : i32
        %dma_wait3A_199 = arith.constant 0 : i32
        %dma_wait3A_200 = tpu.memref_slice %arg4[%dma_wait3A_198, %dma_wait3A_199] : memref<16384x2880xf32, #tpu.memory_space<hbm>> -> memref<8x2880xf32, #tpu.memory_space<hbm>>
        tpu.wait_dma2 semaphore(%dma_wait3A_197 : memref<!tpu.dma_semaphore, #tpu.memory_space<semaphore_mem>>) src(%arg11 : memref<8x2880xf32, #tpu.memory_space<vmem>>) dst(%dma_wait3A_200 : memref<8x2880xf32, #tpu.memory_space<hbm>>)
      } else {
      }
      %parallel_loop3A_179 = arith.constant 0 : i32
      %parallel_loop3A_180 = arith.constant 180 : i32
      %parallel_loop3A_181 = arith.constant 1 : i32
      scf.for %parallel_loop3A_192 = %parallel_loop3A_179 to %parallel_loop3A_180 step %parallel_loop3A_181  : i32 {
        %parallel_loop3A_193 = arith.constant 16 : i32
        %parallel_loop3A_194 = arith.muli %parallel_loop3A_192, %parallel_loop3A_193 : i32
        %parallel_loop3A_195 = arith.index_cast %parallel_loop3A_194 : i32 to index
        %parallel_loop3A_196 = tpu.vector_load %arg5[%parallel_loop3A_195] {strides = array<i32>} : memref<2880xi32, #tpu.memory_space<vmem>>, vector<16xi32>,
        %parallel_loop3A_197 = arith.constant 0 : i32
        %parallel_loop3A_198 = vector.broadcast %parallel_loop3A_197 : i32 to vector<16xi32>
        %parallel_loop3A_199 = tpu.vector_load_idx %arg8[%parallel_loop3A_198, %parallel_loop3A_196] : memref<8x2048xf32, #tpu.memory_space<vmem>>[vector<16xi32>, vector<16xi32>], vector<16xf32>,
        %parallel_loop3A_200 = arith.constant 16 : i32
        %parallel_loop3A_201 = arith.muli %parallel_loop3A_192, %parallel_loop3A_200 : i32
        %parallel_loop3A_202 = arith.constant 0 : i32
        %parallel_loop3A_203 = arith.index_cast %parallel_loop3A_202 : i32 to index
        %parallel_loop3A_204 = arith.index_cast %parallel_loop3A_201 : i32 to index
        %parallel_loop3A_205 = tpu.vector_load %arg11[%parallel_loop3A_203, %parallel_loop3A_204] {strides = array<i32>} : memref<8x2880xf32, #tpu.memory_space<vmem>>, vector<16xf32>,
        tpu.vector_store %arg11[%parallel_loop3A_203, %parallel_loop3A_204], %parallel_loop3A_199 {strides = array<i32>} : memref<8x2880xf32, #tpu.memory_space<vmem>>, vector<16xf32>,
        %parallel_loop3A_206 = arith.constant 1 : i32
        %parallel_loop3A_207 = vector.broadcast %parallel_loop3A_206 : i32 to vector<16xi32>
        %parallel_loop3A_208 = tpu.vector_load_idx %arg8[%parallel_loop3A_207, %parallel_loop3A_196] : memref<8x2048xf32, #tpu.memory_space<vmem>>[vector<16xi32>, vector<16xi32>], vector<16xf32>,
        %parallel_loop3A_209 = arith.constant 16 : i32
        %parallel_loop3A_210 = arith.muli %parallel_loop3A_192, %parallel_loop3A_209 : i32
        %parallel_loop3A_211 = arith.constant 1 : i32
        %parallel_loop3A_212 = arith.index_cast %parallel_loop3A_211 : i32 to index
        %parallel_loop3A_213 = arith.index_cast %parallel_loop3A_210 : i32 to index
        %parallel_loop3A_214 = tpu.vector_load %arg11[%parallel_loop3A_212, %parallel_loop3A_213] {strides = array<i32>} : memref<8x2880xf32, #tpu.memory_space<vmem>>, vector<16xf32>,
        tpu.vector_store %arg11[%parallel_loop3A_212, %parallel_loop3A_213], %parallel_loop3A_208 {strides = array<i32>} : memref<8x2880xf32, #tpu.memory_space<vmem>>, vector<16xf32>,
        %parallel_loop3A_215 = arith.constant 2 : i32
        %parallel_loop3A_216 = vector.broadcast %parallel_loop3A_215 : i32 to vector<16xi32>
        %parallel_loop3A_217 = tpu.vector_load_idx %arg8[%parallel_loop3A_216, %parallel_loop3A_196] : memref<8x2048xf32, #tpu.memory_space<vmem>>[vector<16xi32>, vector<16xi32>], vector<16xf32>,
        %parallel_loop3A_218 = arith.constant 16 : i32
        %parallel_loop3A_219 = arith.muli %parallel_loop3A_192, %parallel_loop3A_218 : i32
        %parallel_loop3A_220 = arith.constant 2 : i32
        %parallel_loop3A_221 = arith.index_cast %parallel_loop3A_220 : i32 to index
        %parallel_loop3A_222 = arith.index_cast %parallel_loop3A_219 : i32 to index
        %parallel_loop3A_223 = tpu.vector_load %arg11[%parallel_loop3A_221, %parallel_loop3A_222] {strides = array<i32>} : memref<8x2880xf32, #tpu.memory_space<vmem>>, vector<16xf32>,
        tpu.vector_store %arg11[%parallel_loop3A_221, %parallel_loop3A_222], %parallel_loop3A_217 {strides = array<i32>} : memref<8x2880xf32, #tpu.memory_space<vmem>>, vector<16xf32>,
        %parallel_loop3A_224 = arith.constant 3 : i32
        %parallel_loop3A_225 = vector.broadcast %parallel_loop3A_224 : i32 to vector<16xi32>
        %parallel_loop3A_226 = tpu.vector_load_idx %arg8[%parallel_loop3A_225, %parallel_loop3A_196] : memref<8x2048xf32, #tpu.memory_space<vmem>>[vector<16xi32>, vector<16xi32>], vector<16xf32>,
        %parallel_loop3A_227 = arith.constant 16 : i32
        %parallel_loop3A_228 = arith.muli %parallel_loop3A_192, %parallel_loop3A_227 : i32
        %parallel_loop3A_229 = arith.constant 3 : i32
        %parallel_loop3A_230 = arith.index_cast %parallel_loop3A_229 : i32 to index
        %parallel_loop3A_231 = arith.index_cast %parallel_loop3A_228 : i32 to index
        %parallel_loop3A_232 = tpu.vector_load %arg11[%parallel_loop3A_230, %parallel_loop3A_231] {strides = array<i32>} : memref<8x2880xf32, #tpu.memory_space<vmem>>, vector<16xf32>,
        tpu.vector_store %arg11[%parallel_loop3A_230, %parallel_loop3A_231], %parallel_loop3A_226 {strides = array<i32>} : memref<8x2880xf32, #tpu.memory_space<vmem>>, vector<16xf32>,
        %parallel_loop3A_233 = arith.constant 4 : i32
        %parallel_loop3A_234 = vector.broadcast %parallel_loop3A_233 : i32 to vector<16xi32>
        %parallel_loop3A_235 = tpu.vector_load_idx %arg8[%parallel_loop3A_234, %parallel_loop3A_196] : memref<8x2048xf32, #tpu.memory_space<vmem>>[vector<16xi32>, vector<16xi32>], vector<16xf32>,
        %parallel_loop3A_236 = arith.constant 16 : i32
        %parallel_loop3A_237 = arith.muli %parallel_loop3A_192, %parallel_loop3A_236 : i32
        %parallel_loop3A_238 = arith.constant 4 : i32
        %parallel_loop3A_239 = arith.index_cast %parallel_loop3A_238 : i32 to index
        %parallel_loop3A_240 = arith.index_cast %parallel_loop3A_237 : i32 to index
        %parallel_loop3A_241 = tpu.vector_load %arg11[%parallel_loop3A_239, %parallel_loop3A_240] {strides = array<i32>} : memref<8x2880xf32, #tpu.memory_space<vmem>>, vector<16xf32>,
        tpu.vector_store %arg11[%parallel_loop3A_239, %parallel_loop3A_240], %parallel_loop3A_235 {strides = array<i32>} : memref<8x2880xf32, #tpu.memory_space<vmem>>, vector<16xf32>,
        %parallel_loop3A_242 = arith.constant 5 : i32
        %parallel_loop3A_243 = vector.broadcast %parallel_loop3A_242 : i32 to vector<16xi32>
        %parallel_loop3A_244 = tpu.vector_load_idx %arg8[%parallel_loop3A_243, %parallel_loop3A_196] : memref<8x2048xf32, #tpu.memory_space<vmem>>[vector<16xi32>, vector<16xi32>], vector<16xf32>,
        %parallel_loop3A_245 = arith.constant 16 : i32
        %parallel_loop3A_246 = arith.muli %parallel_loop3A_192, %parallel_loop3A_245 : i32
        %parallel_loop3A_247 = arith.constant 5 : i32
        %parallel_loop3A_248 = arith.index_cast %parallel_loop3A_247 : i32 to index
        %parallel_loop3A_249 = arith.index_cast %parallel_loop3A_246 : i32 to index
        %parallel_loop3A_250 = tpu.vector_load %arg11[%parallel_loop3A_248, %parallel_loop3A_249] {strides = array<i32>} : memref<8x2880xf32, #tpu.memory_space<vmem>>, vector<16xf32>,
        tpu.vector_store %arg11[%parallel_loop3A_248, %parallel_loop3A_249], %parallel_loop3A_244 {strides = array<i32>} : memref<8x2880xf32, #tpu.memory_space<vmem>>, vector<16xf32>,
        %parallel_loop3A_251 = arith.constant 6 : i32
        %parallel_loop3A_252 = vector.broadcast %parallel_loop3A_251 : i32 to vector<16xi32>
        %parallel_loop3A_253 = tpu.vector_load_idx %arg8[%parallel_loop3A_252, %parallel_loop3A_196] : memref<8x2048xf32, #tpu.memory_space<vmem>>[vector<16xi32>, vector<16xi32>], vector<16xf32>,
        %parallel_loop3A_254 = arith.constant 16 : i32
        %parallel_loop3A_255 = arith.muli %parallel_loop3A_192, %parallel_loop3A_254 : i32
        %parallel_loop3A_256 = arith.constant 6 : i32
        %parallel_loop3A_257 = arith.index_cast %parallel_loop3A_256 : i32 to index
        %parallel_loop3A_258 = arith.index_cast %parallel_loop3A_255 : i32 to index
        %parallel_loop3A_259 = tpu.vector_load %arg11[%parallel_loop3A_257, %parallel_loop3A_258] {strides = array<i32>} : memref<8x2880xf32, #tpu.memory_space<vmem>>, vector<16xf32>,
        tpu.vector_store %arg11[%parallel_loop3A_257, %parallel_loop3A_258], %parallel_loop3A_253 {strides = array<i32>} : memref<8x2880xf32, #tpu.memory_space<vmem>>, vector<16xf32>,
        %parallel_loop3A_260 = arith.constant 7 : i32
        %parallel_loop3A_261 = vector.broadcast %parallel_loop3A_260 : i32 to vector<16xi32>
        %parallel_loop3A_262 = tpu.vector_load_idx %arg8[%parallel_loop3A_261, %parallel_loop3A_196] : memref<8x2048xf32, #tpu.memory_space<vmem>>[vector<16xi32>, vector<16xi32>], vector<16xf32>,
        %parallel_loop3A_263 = arith.constant 16 : i32
        %parallel_loop3A_264 = arith.muli %parallel_loop3A_192, %parallel_loop3A_263 : i32
        %parallel_loop3A_265 = arith.constant 7 : i32
        %parallel_loop3A_266 = arith.index_cast %parallel_loop3A_265 : i32 to index
        %parallel_loop3A_267 = arith.index_cast %parallel_loop3A_264 : i32 to index
        %parallel_loop3A_268 = tpu.vector_load %arg11[%parallel_loop3A_266, %parallel_loop3A_267] {strides = array<i32>} : memref<8x2880xf32, #tpu.memory_space<vmem>>, vector<16xf32>,
        tpu.vector_store %arg11[%parallel_loop3A_266, %parallel_loop3A_267], %parallel_loop3A_262 {strides = array<i32>} : memref<8x2880xf32, #tpu.memory_space<vmem>>, vector<16xf32>,
      } {sc.loop_unroll_factor = 4 : i64, sc.parallel_access}
      %mul3A_182 = arith.constant 8 : i32
      %mul3A_183 = arith.muli %add3A_157, %mul3A_182 : i32
      %add3A_184 = arith.addi %mul3A_2, %mul3A_183 : i32
      %dma_start3A_185 = arith.constant 2 : i32
      %dma_start3A_186 = arith.constant 0 : i32
      %dma_start3A_187 = tpu.memref_slice %arg4[%add3A_184, %dma_start3A_186] : memref<16384x2880xf32, #tpu.memory_space<hbm>> -> memref<8x2880xf32, #tpu.memory_space<hbm>>
      %dma_start3A_188 = tpu.memref_slice %arg13[%dma_start3A_185] : memref<3x!tpu.dma_semaphore, #tpu.memory_space<semaphore_mem>> -> memref<1x!tpu.dma_semaphore, #tpu.memory_space<semaphore_mem>>
      %dma_start3A_189 = tpu.memref_squeeze %dma_start3A_188 : memref<1x!tpu.dma_semaphore, #tpu.memory_space<semaphore_mem>> -> memref<!tpu.dma_semaphore, #tpu.memory_space<semaphore_mem>>
      %dma_start3A_190 = arith.constant 0 : i32
      %dma_start3A_191 = tpu.memref_slice %arg4[%add3A_184, %dma_start3A_190] : memref<16384x2880xf32, #tpu.memory_space<hbm>> -> memref<8x2880xf32, #tpu.memory_space<hbm>>
      tpu.enqueue_dma source(%arg11 : memref<8x2880xf32, #tpu.memory_space<vmem>>) target(%dma_start3A_191 : memref<8x2880xf32, #tpu.memory_space<hbm>>) target_semaphore(%dma_start3A_189 : memref<!tpu.dma_semaphore, #tpu.memory_space<semaphore_mem>>)
    }
    %scan3A_21 = arith.constant 21 : i32
    %dma_wait3A = arith.constant 0 : i32
    %dma_wait3A_22 = arith.constant 0 : i32
    %dma_wait3A_23 = arith.constant 0 : i32
    %dma_wait3A_24 = tpu.memref_slice %arg2[%dma_wait3A_22, %dma_wait3A_23] : memref<16384x2048xf32, #tpu.memory_space<hbm>> -> memref<8x2048xf32, #tpu.memory_space<hbm>>
    %dma_wait3A_25 = tpu.memref_slice %arg12[%dma_wait3A] : memref<3x!tpu.dma_semaphore, #tpu.memory_space<semaphore_mem>> -> memref<1x!tpu.dma_semaphore, #tpu.memory_space<semaphore_mem>>
    %dma_wait3A_26 = tpu.memref_squeeze %dma_wait3A_25 : memref<1x!tpu.dma_semaphore, #tpu.memory_space<semaphore_mem>> -> memref<!tpu.dma_semaphore, #tpu.memory_space<semaphore_mem>>
    %dma_wait3A_27 = arith.constant 0 : i32
    %dma_wait3A_28 = arith.constant 0 : i32
    %dma_wait3A_29 = tpu.memref_slice %arg2[%dma_wait3A_27, %dma_wait3A_28] : memref<16384x2048xf32, #tpu.memory_space<hbm>> -> memref<8x2048xf32, #tpu.memory_space<hbm>>
    tpu.wait_dma2 semaphore(%dma_wait3A_26 : memref<!tpu.dma_semaphore, #tpu.memory_space<semaphore_mem>>) src(%dma_wait3A_29 : memref<8x2048xf32, #tpu.memory_space<hbm>>) dst(%arg6 : memref<8x2048xf32, #tpu.memory_space<vmem>>)
    %dma_wait3A_30 = arith.constant 0 : i32
    %dma_wait3A_31 = arith.constant 0 : i32
    %dma_wait3A_32 = arith.constant 0 : i32
    %dma_wait3A_33 = tpu.memref_slice %arg4[%dma_wait3A_31, %dma_wait3A_32] : memref<16384x2880xf32, #tpu.memory_space<hbm>> -> memref<8x2880xf32, #tpu.memory_space<hbm>>
    %dma_wait3A_34 = tpu.memref_slice %arg13[%dma_wait3A_30] : memref<3x!tpu.dma_semaphore, #tpu.memory_space<semaphore_mem>> -> memref<1x!tpu.dma_semaphore, #tpu.memory_space<semaphore_mem>>
    %dma_wait3A_35 = tpu.memref_squeeze %dma_wait3A_34 : memref<1x!tpu.dma_semaphore, #tpu.memory_space<semaphore_mem>> -> memref<!tpu.dma_semaphore, #tpu.memory_space<semaphore_mem>>
    %dma_wait3A_36 = arith.constant 0 : i32
    %dma_wait3A_37 = arith.constant 0 : i32
    %dma_wait3A_38 = tpu.memref_slice %arg4[%dma_wait3A_36, %dma_wait3A_37] : memref<16384x2880xf32, #tpu.memory_space<hbm>> -> memref<8x2880xf32, #tpu.memory_space<hbm>>
    tpu.wait_dma2 semaphore(%dma_wait3A_35 : memref<!tpu.dma_semaphore, #tpu.memory_space<semaphore_mem>>) src(%arg9 : memref<8x2880xf32, #tpu.memory_space<vmem>>) dst(%dma_wait3A_38 : memref<8x2880xf32, #tpu.memory_space<hbm>>)
    %parallel_loop3A = arith.constant 0 : i32
    %parallel_loop3A_39 = arith.constant 180 : i32
    %parallel_loop3A_40 = arith.constant 1 : i32
    scf.for %parallel_loop3A_77 = %parallel_loop3A to %parallel_loop3A_39 step %parallel_loop3A_40  : i32 {
      %parallel_loop3A_78 = arith.constant 16 : i32
      %parallel_loop3A_79 = arith.muli %parallel_loop3A_77, %parallel_loop3A_78 : i32
      %parallel_loop3A_80 = arith.index_cast %parallel_loop3A_79 : i32 to index
      %parallel_loop3A_81 = tpu.vector_load %arg5[%parallel_loop3A_80] {strides = array<i32>} : memref<2880xi32, #tpu.memory_space<vmem>>, vector<16xi32>,
      %parallel_loop3A_82 = arith.constant 0 : i32
      %parallel_loop3A_83 = vector.broadcast %parallel_loop3A_82 : i32 to vector<16xi32>
      %parallel_loop3A_84 = tpu.vector_load_idx %arg6[%parallel_loop3A_83, %parallel_loop3A_81] : memref<8x2048xf32, #tpu.memory_space<vmem>>[vector<16xi32>, vector<16xi32>], vector<16xf32>,
      %parallel_loop3A_85 = arith.constant 16 : i32
      %parallel_loop3A_86 = arith.muli %parallel_loop3A_77, %parallel_loop3A_85 : i32
      %parallel_loop3A_87 = arith.constant 0 : i32
      %parallel_loop3A_88 = arith.index_cast %parallel_loop3A_87 : i32 to index
      %parallel_loop3A_89 = arith.index_cast %parallel_loop3A_86 : i32 to index
      %parallel_loop3A_90 = tpu.vector_load %arg9[%parallel_loop3A_88, %parallel_loop3A_89] {strides = array<i32>} : memref<8x2880xf32, #tpu.memory_space<vmem>>, vector<16xf32>,
      tpu.vector_store %arg9[%parallel_loop3A_88, %parallel_loop3A_89], %parallel_loop3A_84 {strides = array<i32>} : memref<8x2880xf32, #tpu.memory_space<vmem>>, vector<16xf32>,
      %parallel_loop3A_91 = arith.constant 1 : i32
      %parallel_loop3A_92 = vector.broadcast %parallel_loop3A_91 : i32 to vector<16xi32>
      %parallel_loop3A_93 = tpu.vector_load_idx %arg6[%parallel_loop3A_92, %parallel_loop3A_81] : memref<8x2048xf32, #tpu.memory_space<vmem>>[vector<16xi32>, vector<16xi32>], vector<16xf32>,
      %parallel_loop3A_94 = arith.constant 16 : i32
      %parallel_loop3A_95 = arith.muli %parallel_loop3A_77, %parallel_loop3A_94 : i32
      %parallel_loop3A_96 = arith.constant 1 : i32
      %parallel_loop3A_97 = arith.index_cast %parallel_loop3A_96 : i32 to index
      %parallel_loop3A_98 = arith.index_cast %parallel_loop3A_95 : i32 to index
      %parallel_loop3A_99 = tpu.vector_load %arg9[%parallel_loop3A_97, %parallel_loop3A_98] {strides = array<i32>} : memref<8x2880xf32, #tpu.memory_space<vmem>>, vector<16xf32>,
      tpu.vector_store %arg9[%parallel_loop3A_97, %parallel_loop3A_98], %parallel_loop3A_93 {strides = array<i32>} : memref<8x2880xf32, #tpu.memory_space<vmem>>, vector<16xf32>,
      %parallel_loop3A_100 = arith.constant 2 : i32
      %parallel_loop3A_101 = vector.broadcast %parallel_loop3A_100 : i32 to vector<16xi32>
      %parallel_loop3A_102 = tpu.vector_load_idx %arg6[%parallel_loop3A_101, %parallel_loop3A_81] : memref<8x2048xf32, #tpu.memory_space<vmem>>[vector<16xi32>, vector<16xi32>], vector<16xf32>,
      %parallel_loop3A_103 = arith.constant 16 : i32
      %parallel_loop3A_104 = arith.muli %parallel_loop3A_77, %parallel_loop3A_103 : i32
      %parallel_loop3A_105 = arith.constant 2 : i32
      %parallel_loop3A_106 = arith.index_cast %parallel_loop3A_105 : i32 to index
      %parallel_loop3A_107 = arith.index_cast %parallel_loop3A_104 : i32 to index
      %parallel_loop3A_108 = tpu.vector_load %arg9[%parallel_loop3A_106, %parallel_loop3A_107] {strides = array<i32>} : memref<8x2880xf32, #tpu.memory_space<vmem>>, vector<16xf32>,
      tpu.vector_store %arg9[%parallel_loop3A_106, %parallel_loop3A_107], %parallel_loop3A_102 {strides = array<i32>} : memref<8x2880xf32, #tpu.memory_space<vmem>>, vector<16xf32>,
      %parallel_loop3A_109 = arith.constant 3 : i32
      %parallel_loop3A_110 = vector.broadcast %parallel_loop3A_109 : i32 to vector<16xi32>
      %parallel_loop3A_111 = tpu.vector_load_idx %arg6[%parallel_loop3A_110, %parallel_loop3A_81] : memref<8x2048xf32, #tpu.memory_space<vmem>>[vector<16xi32>, vector<16xi32>], vector<16xf32>,
      %parallel_loop3A_112 = arith.constant 16 : i32
      %parallel_loop3A_113 = arith.muli %parallel_loop3A_77, %parallel_loop3A_112 : i32
      %parallel_loop3A_114 = arith.constant 3 : i32
      %parallel_loop3A_115 = arith.index_cast %parallel_loop3A_114 : i32 to index
      %parallel_loop3A_116 = arith.index_cast %parallel_loop3A_113 : i32 to index
      %parallel_loop3A_117 = tpu.vector_load %arg9[%parallel_loop3A_115, %parallel_loop3A_116] {strides = array<i32>} : memref<8x2880xf32, #tpu.memory_space<vmem>>, vector<16xf32>,
      tpu.vector_store %arg9[%parallel_loop3A_115, %parallel_loop3A_116], %parallel_loop3A_111 {strides = array<i32>} : memref<8x2880xf32, #tpu.memory_space<vmem>>, vector<16xf32>,
      %parallel_loop3A_118 = arith.constant 4 : i32
      %parallel_loop3A_119 = vector.broadcast %parallel_loop3A_118 : i32 to vector<16xi32>
      %parallel_loop3A_120 = tpu.vector_load_idx %arg6[%parallel_loop3A_119, %parallel_loop3A_81] : memref<8x2048xf32, #tpu.memory_space<vmem>>[vector<16xi32>, vector<16xi32>], vector<16xf32>,
      %parallel_loop3A_121 = arith.constant 16 : i32
      %parallel_loop3A_122 = arith.muli %parallel_loop3A_77, %parallel_loop3A_121 : i32
      %parallel_loop3A_123 = arith.constant 4 : i32
      %parallel_loop3A_124 = arith.index_cast %parallel_loop3A_123 : i32 to index
      %parallel_loop3A_125 = arith.index_cast %parallel_loop3A_122 : i32 to index
      %parallel_loop3A_126 = tpu.vector_load %arg9[%parallel_loop3A_124, %parallel_loop3A_125] {strides = array<i32>} : memref<8x2880xf32, #tpu.memory_space<vmem>>, vector<16xf32>,
      tpu.vector_store %arg9[%parallel_loop3A_124, %parallel_loop3A_125], %parallel_loop3A_120 {strides = array<i32>} : memref<8x2880xf32, #tpu.memory_space<vmem>>, vector<16xf32>,
      %parallel_loop3A_127 = arith.constant 5 : i32
      %parallel_loop3A_128 = vector.broadcast %parallel_loop3A_127 : i32 to vector<16xi32>
      %parallel_loop3A_129 = tpu.vector_load_idx %arg6[%parallel_loop3A_128, %parallel_loop3A_81] : memref<8x2048xf32, #tpu.memory_space<vmem>>[vector<16xi32>, vector<16xi32>], vector<16xf32>,
      %parallel_loop3A_130 = arith.constant 16 : i32
      %parallel_loop3A_131 = arith.muli %parallel_loop3A_77, %parallel_loop3A_130 : i32
      %parallel_loop3A_132 = arith.constant 5 : i32
      %parallel_loop3A_133 = arith.index_cast %parallel_loop3A_132 : i32 to index
      %parallel_loop3A_134 = arith.index_cast %parallel_loop3A_131 : i32 to index
      %parallel_loop3A_135 = tpu.vector_load %arg9[%parallel_loop3A_133, %parallel_loop3A_134] {strides = array<i32>} : memref<8x2880xf32, #tpu.memory_space<vmem>>, vector<16xf32>,
      tpu.vector_store %arg9[%parallel_loop3A_133, %parallel_loop3A_134], %parallel_loop3A_129 {strides = array<i32>} : memref<8x2880xf32, #tpu.memory_space<vmem>>, vector<16xf32>,
      %parallel_loop3A_136 = arith.constant 6 : i32
      %parallel_loop3A_137 = vector.broadcast %parallel_loop3A_136 : i32 to vector<16xi32>
      %parallel_loop3A_138 = tpu.vector_load_idx %arg6[%parallel_loop3A_137, %parallel_loop3A_81] : memref<8x2048xf32, #tpu.memory_space<vmem>>[vector<16xi32>, vector<16xi32>], vector<16xf32>,
      %parallel_loop3A_139 = arith.constant 16 : i32
      %parallel_loop3A_140 = arith.muli %parallel_loop3A_77, %parallel_loop3A_139 : i32
      %parallel_loop3A_141 = arith.constant 6 : i32
      %parallel_loop3A_142 = arith.index_cast %parallel_loop3A_141 : i32 to index
      %parallel_loop3A_143 = arith.index_cast %parallel_loop3A_140 : i32 to index
      %parallel_loop3A_144 = tpu.vector_load %arg9[%parallel_loop3A_142, %parallel_loop3A_143] {strides = array<i32>} : memref<8x2880xf32, #tpu.memory_space<vmem>>, vector<16xf32>,
      tpu.vector_store %arg9[%parallel_loop3A_142, %parallel_loop3A_143], %parallel_loop3A_138 {strides = array<i32>} : memref<8x2880xf32, #tpu.memory_space<vmem>>, vector<16xf32>,
      %parallel_loop3A_145 = arith.constant 7 : i32
      %parallel_loop3A_146 = vector.broadcast %parallel_loop3A_145 : i32 to vector<16xi32>
      %parallel_loop3A_147 = tpu.vector_load_idx %arg6[%parallel_loop3A_146, %parallel_loop3A_81] : memref<8x2048xf32, #tpu.memory_space<vmem>>[vector<16xi32>, vector<16xi32>], vector<16xf32>,
      %parallel_loop3A_148 = arith.constant 16 : i32
      %parallel_loop3A_149 = arith.muli %parallel_loop3A_77, %parallel_loop3A_148 : i32
      %parallel_loop3A_150 = arith.constant 7 : i32
      %parallel_loop3A_151 = arith.index_cast %parallel_loop3A_150 : i32 to index
      %parallel_loop3A_152 = arith.index_cast %parallel_loop3A_149 : i32 to index
      %parallel_loop3A_153 = tpu.vector_load %arg9[%parallel_loop3A_151, %parallel_loop3A_152] {strides = array<i32>} : memref<8x2880xf32, #tpu.memory_space<vmem>>, vector<16xf32>,
      tpu.vector_store %arg9[%parallel_loop3A_151, %parallel_loop3A_152], %parallel_loop3A_147 {strides = array<i32>} : memref<8x2880xf32, #tpu.memory_space<vmem>>, vector<16xf32>,
    } {sc.loop_unroll_factor = 4 : i64, sc.parallel_access}
    %add3A_41 = arith.constant 504 : i32
    %add3A_42 = arith.addi %mul3A_2, %add3A_41 : i32
    %dma_start3A_43 = arith.constant 0 : i32
    %dma_start3A_44 = arith.constant 0 : i32
    %dma_start3A_45 = tpu.memref_slice %arg4[%add3A_42, %dma_start3A_44] : memref<16384x2880xf32, #tpu.memory_space<hbm>> -> memref<8x2880xf32, #tpu.memory_space<hbm>>
    %dma_start3A_46 = tpu.memref_slice %arg13[%dma_start3A_43] : memref<3x!tpu.dma_semaphore, #tpu.memory_space<semaphore_mem>> -> memref<1x!tpu.dma_semaphore, #tpu.memory_space<semaphore_mem>>
    %dma_start3A_47 = tpu.memref_squeeze %dma_start3A_46 : memref<1x!tpu.dma_semaphore, #tpu.memory_space<semaphore_mem>> -> memref<!tpu.dma_semaphore, #tpu.memory_space<semaphore_mem>>
    %dma_start3A_48 = arith.constant 0 : i32
    %dma_start3A_49 = tpu.memref_slice %arg4[%add3A_42, %dma_start3A_48] : memref<16384x2880xf32, #tpu.memory_space<hbm>> -> memref<8x2880xf32, #tpu.memory_space<hbm>>
    tpu.enqueue_dma source(%arg9 : memref<8x2880xf32, #tpu.memory_space<vmem>>) target(%dma_start3A_49 : memref<8x2880xf32, #tpu.memory_space<hbm>>) target_semaphore(%dma_start3A_47 : memref<!tpu.dma_semaphore, #tpu.memory_space<semaphore_mem>>)
    %dma_wait3A_50 = arith.constant 0 : i32
    %dma_wait3A_51 = arith.constant 0 : i32
    %dma_wait3A_52 = arith.constant 0 : i32
    %dma_wait3A_53 = tpu.memref_slice %arg4[%dma_wait3A_51, %dma_wait3A_52] : memref<16384x2880xf32, #tpu.memory_space<hbm>> -> memref<8x2880xf32, #tpu.memory_space<hbm>>
    %dma_wait3A_54 = tpu.memref_slice %arg13[%dma_wait3A_50] : memref<3x!tpu.dma_semaphore, #tpu.memory_space<semaphore_mem>> -> memref<1x!tpu.dma_semaphore, #tpu.memory_space<semaphore_mem>>
    %dma_wait3A_55 = tpu.memref_squeeze %dma_wait3A_54 : memref<1x!tpu.dma_semaphore, #tpu.memory_space<semaphore_mem>> -> memref<!tpu.dma_semaphore, #tpu.memory_space<semaphore_mem>>
    %dma_wait3A_56 = arith.constant 0 : i32
    %dma_wait3A_57 = arith.constant 0 : i32
    %dma_wait3A_58 = tpu.memref_slice %arg4[%dma_wait3A_56, %dma_wait3A_57] : memref<16384x2880xf32, #tpu.memory_space<hbm>> -> memref<8x2880xf32, #tpu.memory_space<hbm>>
    tpu.wait_dma2 semaphore(%dma_wait3A_55 : memref<!tpu.dma_semaphore, #tpu.memory_space<semaphore_mem>>) src(%arg9 : memref<8x2880xf32, #tpu.memory_space<vmem>>) dst(%dma_wait3A_58 : memref<8x2880xf32, #tpu.memory_space<hbm>>)
    %dma_wait3A_59 = arith.constant 1 : i32
    %dma_wait3A_60 = arith.constant 0 : i32
    %dma_wait3A_61 = arith.constant 0 : i32
    %dma_wait3A_62 = tpu.memref_slice %arg4[%dma_wait3A_60, %dma_wait3A_61] : memref<16384x2880xf32, #tpu.memory_space<hbm>> -> memref<8x2880xf32, #tpu.memory_space<hbm>>
    %dma_wait3A_63 = tpu.memref_slice %arg13[%dma_wait3A_59] : memref<3x!tpu.dma_semaphore, #tpu.memory_space<semaphore_mem>> -> memref<1x!tpu.dma_semaphore, #tpu.memory_space<semaphore_mem>>
    %dma_wait3A_64 = tpu.memref_squeeze %dma_wait3A_63 : memref<1x!tpu.dma_semaphore, #tpu.memory_space<semaphore_mem>> -> memref<!tpu.dma_semaphore, #tpu.memory_space<semaphore_mem>>
    %dma_wait3A_65 = arith.constant 0 : i32
    %dma_wait3A_66 = arith.constant 0 : i32
    %dma_wait3A_67 = tpu.memref_slice %arg4[%dma_wait3A_65, %dma_wait3A_66] : memref<16384x2880xf32, #tpu.memory_space<hbm>> -> memref<8x2880xf32, #tpu.memory_space<hbm>>
    tpu.wait_dma2 semaphore(%dma_wait3A_64 : memref<!tpu.dma_semaphore, #tpu.memory_space<semaphore_mem>>) src(%arg10 : memref<8x2880xf32, #tpu.memory_space<vmem>>) dst(%dma_wait3A_67 : memref<8x2880xf32, #tpu.memory_space<hbm>>)
    %dma_wait3A_68 = arith.constant 2 : i32
    %dma_wait3A_69 = arith.constant 0 : i32
    %dma_wait3A_70 = arith.constant 0 : i32
    %dma_wait3A_71 = tpu.memref_slice %arg4[%dma_wait3A_69, %dma_wait3A_70] : memref<16384x2880xf32, #tpu.memory_space<hbm>> -> memref<8x2880xf32, #tpu.memory_space<hbm>>
    %dma_wait3A_72 = tpu.memref_slice %arg13[%dma_wait3A_68] : memref<3x!tpu.dma_semaphore, #tpu.memory_space<semaphore_mem>> -> memref<1x!tpu.dma_semaphore, #tpu.memory_space<semaphore_mem>>
    %dma_wait3A_73 = tpu.memref_squeeze %dma_wait3A_72 : memref<1x!tpu.dma_semaphore, #tpu.memory_space<semaphore_mem>> -> memref<!tpu.dma_semaphore, #tpu.memory_space<semaphore_mem>>
    %dma_wait3A_74 = arith.constant 0 : i32
    %dma_wait3A_75 = arith.constant 0 : i32
    %dma_wait3A_76 = tpu.memref_slice %arg4[%dma_wait3A_74, %dma_wait3A_75] : memref<16384x2880xf32, #tpu.memory_space<hbm>> -> memref<8x2880xf32, #tpu.memory_space<hbm>>
    tpu.wait_dma2 semaphore(%dma_wait3A_73 : memref<!tpu.dma_semaphore, #tpu.memory_space<semaphore_mem>>) src(%arg11 : memref<8x2880xf32, #tpu.memory_space<vmem>>) dst(%dma_wait3A_76 : memref<8x2880xf32, #tpu.memory_space<hbm>>)
    return
  }
}

</mosaic_0001>

<sc_bundles>
// kernel: _sc_gather.3.cloned.1.call-start
scs
__scs_entry_jumppad:
0x0: {  	(pc) =	sbr.rel $0x88, $3  }
0x1: {  	(tag) =	ssettag $0x0;
	lr =	simm.s32 $0x1  }
0x2: {  	[smem:$0x3F9F] =	sst lr;
	_ =	strace $0xD0000000  }
0x3: {  	_ = 	snop  }
0x4: {  	_ = 	snop  }
0x5: {  	_ = 	snop  }
0x6: {  	_ = 	snop  }
0x7: {  	_ = 	snop  }
__scs_overlays_trampoline_lowered:
0x8: {  	[smem:$0x3FAE] =	sst s0  }
0x9: {  	[smem:$0x3FAF] =	sst s1  }
0xa: {  	[smem:$0x3FB0] =	sst s2  }
0xb: {  	[smem:$0x3FB1] =	sst s3  }
0xc: {  	[smem:$0x3FB2] =	sst s4  }
0xd: {  	[smem:$0x3FB3] =	sst s5  }
0xe: {  	[smem:$0x3FB4] =	sst s6  }
0xf: {  	[smem:$0x3FB5] =	sst s7  }
0x10: {  	[smem:$0x3FB6] =	sst s8  }
0x11: {  	[smem:$0x3FB7] =	sst s9;
	s0 =	simm.s32 @!p0 $0x0  }
0x12: {  	s1 =	sld [smem:$0x3F9D];
	s0 =	simm.s32 @p0 $0x1  }
0x13: {  	[smem:$0x3FB8] =	sst s0;
	s0 =	simm.s32 @!p1 $0x0  }
0x14: {  	s2 =	sld [smem:$0x3F9C];
	s0 =	simm.s32 @p1 $0x1  }
0x15: {  	[smem:$0x3FB9] =	sst s0;
	s0 =	simm.s32 @!p2 $0x0  }
0x16: {  	s3 =	sld [smem:$0x3FDB];
	s0 =	simm.s32 @p2 $0x1  }
0x17: {  	s4 =	simm.s32 $0x1BF5;
	[smem:$0x3FBB] =	sst s0  }
0x18: {  	s0 =	sld [smem:$0x3F9E];
	_ =	swait.ge [sflag:s4], $0x0  }
0x19: {  	s7 =	sld [smem:$0x3F9F]  }
0x1a: {  	s8 =	sadd.s32 $0xFFFFE003, lr  }
0x1b: {  	s9 =	sadd.s32 $0xFFFFFEF7, lr;
	s5 =	simm.s32 $0xFFFFFFFF;
	p2 =	slt.u32 s8, $0xFFFFF086  }
0x1c: {  	p1 =	slt.u32 s9, $0xF7A;
	s5 =	simm.s32 @!p2 $0x0  }
0x1d: {  	s5 =	simm.s32 @p1 $0x1;
	p0 =	seq.s32 s7, s2  }
0x1e: {  	s7 =	smul.u32 @!p0 $0xF7A, s2;
	p2 =	seq.s32 @!p0 s5, $0x0  }
0x1f: {  	s9 =	smul.u32 $0xF7A, s1;
	s8 =	simm.s32 @!p0 $0x1BF5;
	p2 =	por !p2, p0  }
0x20: {  	[sflag:s8] =	ssyncset.s32 @!p0 $0xFFFFF086;
	s6 =	sadd.s32 @!p0 s3, s7;
	s7 =	simm.s32 @!p0 $0x108  }
0x21: {  	s3 =	sadd.s32 s3, s9;
	s6 =	sadd.s32 @!p0 $0x88, s6;
	s7 =	simm.s32 @p2 $0x1082  }
0x22: {  	[simem:s7], [sflag:s8] =	dma.local @!p0 [hbm:s6], $0xF7A  }
0x23: {  	s9 =	sor.u32 $0xD0000000, s2;
	s6 =	simm.s32 $0x108;
	_ =	swait.ge @!p0 [sflag:s8], $0x0  }
0x24: {  	s3 =	sadd.s32 $0x88, s3;
	s6 =	simm.s32 @!p1 $0x1082;
	[sflag:s4] =	ssyncset.s32 $0xFFFFF086  }
0x25: {  	[simem:s6], [sflag:s4] =	dma.local [hbm:s3], $0xF7A  }
0x26: {  	[smem:$0x3F9F] =	sst s1;
	(tag) =	ssettag s2;
	_ =	strace s9  }
0x27: {  	s1 =	sld [smem:$0x3FAF]  }
0x28: {  	s2 =	sld [smem:$0x3FB0]  }
0x29: {  	s4 =	sld [smem:$0x3FB2]  }
0x2a: {  	p0 =	seq.s32 s5, $0x0;
	s5 =	sld [smem:$0x3FB3]  }
0x2b: {  	s6 =	sld [smem:$0x3FB4]  }
0x2c: {  	s7 =	sld [smem:$0x3FB5]  }
0x2d: {  	s3 =	simm.s32 $0x108;
	s8 =	sld [smem:$0x3FB6]  }
0x2e: {  	s3 =	simm.s32 @!p0 $0x1082;
	s9 =	sld [smem:$0x3FB7]  }
0x2f: {  	lr =	sadd.s32 s0, s3;
	s0 =	sld [smem:$0x3FAE]  }
0x30: {  	s3 =	sld [smem:$0x3FB1]  }
0x31: {  	[smem:$0x3FBA] =	sst s10  }
0x32: {  	s10 =	sld [smem:$0x3FB8];
	_ =	sdelay $0x3  }
0x33: {  	p0 =	seq.s32 s10, $0x1;
	s10 =	sld [smem:$0x3FBA];
	_ =	sdelay $0x3  }
0x34: {  	[smem:$0x3FBA] =	sst s10  }
0x35: {  	s10 =	sld [smem:$0x3FB9];
	_ =	sdelay $0x3  }
0x36: {  	p1 =	seq.s32 s10, $0x1;
	s10 =	sld [smem:$0x3FBA];
	_ =	sdelay $0x3  }
0x37: {  	[smem:$0x3FBA] =	sst s10  }
0x38: {  	s10 =	sld [smem:$0x3FBB]  }
0x39: {  	_ = 	snop;
	(pc) =	sbr.ind lr, $3  }
0x3a: {  	_ = 	snop  }
0x3b: {  	_ = 	snop  }
0x3c: {  	p2 =	seq.s32 s10, $0x1;
	s10 =	sld [smem:$0x3FBA]  }
0x3d: {  	_ =	shalt  }
0x3e: {  	_ =	shalt  }
0x3f: {  	_ =	shalt  }
0x40: {  	_ =	shalt  }
0x41: {  	_ =	shalt  }
0x42: {  	_ =	shalt  }
0x43: {  	_ =	shalt  }
0x44: {  	_ =	shalt  }
0x45: {  	_ =	shalt  }
0x46: {  	_ =	shalt  }
0x47: {  	_ =	shalt  }
0x48: {  	_ =	shalt  }
0x49: {  	_ =	shalt  }
0x4a: {  	_ =	shalt  }
0x4b: {  	_ =	shalt  }
0x4c: {  	_ =	shalt  }
0x4d: {  	_ =	shalt  }
0x4e: {  	_ =	shalt  }
0x4f: {  	_ =	shalt  }
0x50: {  	_ =	shalt  }
0x51: {  	_ =	shalt  }
0x52: {  	_ =	shalt  }
0x53: {  	_ =	shalt  }
0x54: {  	_ =	shalt  }
0x55: {  	_ =	shalt  }
0x56: {  	_ =	shalt  }
0x57: {  	_ =	shalt  }
0x58: {  	_ =	shalt  }
0x59: {  	_ =	shalt  }
0x5a: {  	_ =	shalt  }
0x5b: {  	_ =	shalt  }
0x5c: {  	_ =	shalt  }
0x5d: {  	_ =	shalt  }
0x5e: {  	_ =	shalt  }
0x5f: {  	_ =	shalt  }
0x60: {  	_ =	shalt  }
0x61: {  	_ =	shalt  }
0x62: {  	_ =	shalt  }
0x63: {  	_ =	shalt  }
0x64: {  	_ =	shalt  }
0x65: {  	_ =	shalt  }
0x66: {  	_ =	shalt  }
0x67: {  	_ =	shalt  }
0x68: {  	_ =	shalt  }
0x69: {  	_ =	shalt  }
0x6a: {  	_ =	shalt  }
0x6b: {  	_ =	shalt  }
0x6c: {  	_ =	shalt  }
0x6d: {  	_ =	shalt  }
0x6e: {  	_ =	shalt  }
0x6f: {  	_ =	shalt  }
0x70: {  	_ =	shalt  }
0x71: {  	_ =	shalt  }
0x72: {  	_ =	shalt  }
0x73: {  	_ =	shalt  }
0x74: {  	_ =	shalt  }
0x75: {  	_ =	shalt  }
0x76: {  	_ =	shalt  }
0x77: {  	_ =	shalt  }
0x78: {  	_ =	shalt  }
0x79: {  	_ =	shalt  }
0x7a: {  	_ =	shalt  }
0x7b: {  	_ =	shalt  }
0x7c: {  	_ =	shalt  }
0x7d: {  	_ =	shalt  }
0x7e: {  	_ =	shalt  }
0x7f: {  	_ =	shalt  }
0x80: {  	_ =	shalt  }
0x81: {  	_ =	shalt  }
0x82: {  	_ =	shalt  }
0x83: {  	_ =	shalt  }
0x84: {  	_ =	shalt  }
0x85: {  	_ =	shalt  }
0x86: {  	_ =	shalt  }
0x87: {  	_ =	shalt  }
.Lfunc_end0:
.L_simem_size_0:
called_computation_lowered:
.L_overlay_start_0:
0x88: {  	s2 =	sld [smem:$0x3FD9]  }
0x89: {  	s3 =	sld [smem:$0x3FFE];
	_ =	sdelay $0x1  }
0x8a: {  	s1 =	srdreg.scid  }
0x8b: {  	s0 =	sand.u32 $0x1, s1  }
0x8c: {  	s17 =	sshll.u32 s0, $0xA;
	s2 =	sadd.s32 s3, s2  }
0x8d: {  	s2 =	sadd.s32 s2, s17  }
0x8e: {  	[smem:$0x3FC6] =	sst s2  }
0x8f: {  	_ = 	snop  }
0x90: {  	s2 =	sld [smem:$0x3FC9]  }
0x91: {  	s18 =	sld [smem:$0x3FC8];
	(tm) =	ssettm $0x1  }
0x92: {  	s4 =	sld [smem:$0x3FFB];
	_ =	sdelay $0x3  }
0x93: {  	_ =	strace s4  }
0x94: {  	s4 =	sld [smem:$0x3FFC];
	_ =	sdelay $0x3  }
0x95: {  	_ =	strace s4  }
0x96: {  	s4 =	sld [smem:$0x3FFD];
	_ =	sdelay $0x3  }
0x97: {  	_ =	strace s4  }
0x98: {  	_ =	strace $0x8FFFFFFF  }
0x99: {  	s19 =	sld [smem:$0x3FDB];
	_ =	sdelay $0x1  }
0x9a: {  	s5 =	simm.s32 $_scs_section_size  }
0x9b: {  	s6 =	simm.s32 $_size__tile_overlayer_lowered;
	s7 =	simm.s32 $_tile_overlayer_lowered  }
0x9c: {  	s22 =	simm.s32 $0x1BFF;
	s21 =	sshll.u32 s7, $0x1;
	s4 =	sadd.s32 s5, s19  }
0x9d: {  	s8 =	simm.s32 $0x0;
	s20 =	sshll.u32 s6, $0x1;
	s6 =	sadd.s32 s21, s4  }
0x9e: {  	[timem:s8], [sflag:s22] =	dma.local [hbm:s6], s20  }
0x9f: {  	_ =	swait.ge [sflag:s22], s20  }
0xa0: {  	s5 =	ssub.s32 $0x0, s20;
	[sflag:s22] =	ssyncset.done $0x0  }
0xa1: {  	[sflag:s22] =	ssyncadd.s32 s5;
	_ =	sdelay $0x1  }
0xa2: {  	s23 =	simm.s32 $0x1B8B  }
0xa3: {  	_ =	swait.ge [sflag:s23], $0x1  }
0xa4: {  	[sflag:s23] =	ssyncset.done $0x0  }
0xa5: {  	s25 =	simm.s32 $0x1B8E;
	s24 =	sld [smem:$0x3FFE];
	[sflag:s23] =	ssyncadd.s32 $0xFFFFFFFF  }
0xa6: {  	s26 =	simm.s32 $execute0_lowered;
	[smem:$0x3FD2] =	sst s25  }
0xa7: {  	s6 =	sshll.u32 s26, $0x1;
	_ =	strace $0x80000046;
	[dreg:$0x1] =	wrdreg $0xFFFFFFFF  }
0xa8: {  	s28 =	simm.s32 $_size_execute0_lowered;
	s4 =	sadd.s32 s4, s6;
	[dreg:$0x0] =	wrdreg $0x0  }
0xa9: {  	s6 =	sshll.u32 s28, $0x1;
	[dreg:$0x2] =	wrdreg s4  }
0xaa: {  	[dreg:$0x3] =	wrdreg s6  }
0xab: {  	[dreg:$0x4] =	wrdreg $0xC0  }
0xac: {  	_ =	task [dreg:s8], $0x5FFFF  }
0xad: {  	[dreg:$0x1] =	wrdreg $0xFFFFFFFF  }
0xae: {  	[dreg:$0x0] =	wrdreg $0x60  }
0xaf: {  	[dreg:$0x2] =	wrdreg s2  }
0xb0: {  	[dreg:$0x3] =	wrdreg s18  }
0xb1: {  	[dreg:$0x4] =	wrdreg s24  }
0xb2: {  	[dreg:$0x5] =	wrdreg $0x9  }
0xb3: {  	_ =	task.clear_ibuf [dreg:s8], $0x6FFFF;
	_ =	strace $0x90000046  }
0xb4: {  	s29 =	simm.s32 $0x9;
	_ =	strace $0x80000048  }
0xb5: {  	_ =	swait.ge [sflag:s29], $0x1  }
0xb6: {  	[sflag:s29] =	ssyncadd.s32 $0xFFFFFFFF  }
0xb7: {  	_ =	strace $0x90000048  }
0xb8: {  	_ =	sfence  }
0xb9: {  	s30 =	sld [smem:$0x0];
	_ =	sdelay $0x2  }
0xba: {  	s31 =	sshll.u32 s1, $0xD;
	s1 =	sshrl.u32 s1, $0x2  }
0xbb: {  	s3 =	sand.u32 $0x4000, s31;
	s1 =	sadd.s32 s1, s30  }
0xbc: {  	s0 =	sor.u32 s3, s0;
	s1 =	sshll.u32 s1, $0x11  }
0xbd: {  	s0 =	sor.u32 s1, s0  }
0xbe: {  	s0 =	sadd.s32 $0x8F2B, s0  }
0xbf: {  	[sflag:s0] =	ssyncadd.remote.s32 $0x1  }
0xc0: {  	_ =	sfence.sel $0xFFFF  }
0xc1: {  	[dreg:$0x0] =	wrdreg $0xFFFFFFFF;
	(pc) =	sbr.abs _section_cstart, $3  }
0xc2: {  	[dreg:$0x1] =	wrdreg $0xFFFFFFFF  }
0xc3: {  	_ =	task.clear_ibuf [dreg:s8], $0x2FFFF;
	_ =	strace $0x9FFFFFFF  }
0xc4: {  	(tm) =	ssettm $0x7FFFFFFF  }
0xc5: {  	_ =	shalt  }
tec
execute0_lowered:
.L_overlay_start_1:
0x0: {  	(tag) =	ssettag $0x1  }
0x1: {  	s7 =	rddreg [dreg:$0x0];
	s1 =	srdreg.scid  }
0x2: {  	s2 =	stileid.u32;
	s4 =	simm.s32 $0x0;
	s1 =	sand.u32 $0x1, s1  }
0x3: {  	s2 =	sshll.u32 s2, $0xA;
	[smem:$0x7FF] =	sst s4;
	s3 =	sshll.u32 s1, $0x9  }
0x4: {  	s0 =	rddreg [dreg:$0x2];
	_ =	strace $0x80000047;
	s3 =	sor.u32 s3, s2  }
0x5: {  	s2 =	sshrl.u32 s3, $0x3;
	[dreg:$0x4] =	wrdreg s3;
	s3 =	sshll.u32 s3, $0x8  }
0x6: {  	s16 =	simm.s32 $0xB80;
	s6 =	sadd.s32 $0x400, s0;
	s3 =	sadd.s32 s7, s3  }
0x7: {  	s1 =	ssub.s32 $0x2, s1;
	s29 =	sor.u32 $0x2, s2;
	[dreg:$0x5] =	wrdreg s3  }
0x8: {  	s25 =	sshrl.u32 s1, $0x1;
	s30 =	sor.u32 $0x3, s2;
	[dreg:$0x7] =	wrdreg s29  }
0x9: {  	s5 =	smul.u32 $0x5C00, s2;
	s31 =	sor.u32 $0x1, s2;
	[dreg:$0x8] =	wrdreg s30  }
0xa: {  	s0 =	ssub.s32 s1, s25;
	s2 =	sor.u32 $0x4, s2;
	[dreg:$0x9] =	wrdreg s31  }
0xb: {  	s0 =	smax.u32 s0, $0x1;
	[dreg:$0xa] =	wrdreg s2;
	s28 =	sshrl.u32 s5, $0x3  }
0xc: {  	s26 =	sadd.s32 $0x800, s3;
	[dreg:$0xc] =	wrdreg s0;
	s1 =	sadd.s32 s6, s28  }
0xd: {  	s17 =	simm.s32 $0x4B80;
	[dreg:$0x6] =	wrdreg s26;
	s1 =	sadd.s32 $0x2D480, s1  }
0xe: {  	s19 =	simm.s32 $0x8B80;
	s2 =	simm.s32 $0x0;
	[dreg:$0xb] =	wrdreg s1  }
.LBB2_1:
0xf: {  	[dreg:$0xd] =	wrdreg s2  }
0x10: {  	s0 =	rddreg [dreg:$0x1];
	s28 =	simm.s32 $0x7  }
0x11: {  	[tilespmem:s4], [sflag:$0x7] =	stream.linear.gather [hbm4b:s0+s4], $0xB80, $0x38;
	[tilespmem:$0x1DF80] =	vst v63  }
0x12: {  	_ =	swait.ge [sflag:s28], $0xB80  }
0x13: {  	[sflag:s28] =	ssyncset.done $0x0  }
0x14: {  	s29 =	rddreg [dreg:$0x5];
	[sflag:s28] =	ssyncadd.s32 $0xFFFFF480  }
0x15: {  	[tilespmem:s16], [sflag:$0x1] =	stream.linear.gather [hbm4b:s29+s4], $0x4000, $0x38;
	[tilespmem:$0x1DF80] =	vst v63  }
0x16: {  	s30 =	simm.s32 $0x0;
	s31 =	rddreg [dreg:$0x6]  }
0x17: {  	[tilespmem:s17], [sflag:$0x2] =	stream.linear.gather [hbm4b:s31+s4], $0x4000, $0x38;
	[tilespmem:$0x1DF80] =	vst v63  }
.LBB2_2:
0x18: {  	s2 =	simm.s32 $0x1  }
0x19: {  	s0 =	smul.u32 $0x3, s30;
	_ =	swait.ge [sflag:s2], $0x4000  }
0x1a: {  	s1 =	rddreg [dreg:$0x7];
	[sflag:s2] =	ssyncset.done $0x0  }
0x1b: {  	s31 =	sadd.s32 s1, s0;
	[sflag:s2] =	ssyncadd.s32 $0xFFFFC000  }
0x1c: {  	s1 =	sshll.u32 s31, $0xB;
	s2 =	rddreg [dreg:$0x0]  }
0x1d: {  	p0 =	seq.s32 s30, $0x0;
	s1 =	sadd.s32 s2, s1  }
0x1e: {  	[tilespmem:s19], [sflag:$0x3] =	stream.linear.gather [hbm4b:s1+s4], $0x4000, $0x38;
	[tilespmem:$0x1DF80] =	vst v63  }
0x1f: {  	s23 =	simm.s32 $0x0;
	s1 =	simm.s32 @!p0 $0x4  }
0x20: {  	s3 =	sand.u32 $0x40, s23;
	_ =	swait.ge @!p0 [sflag:s1], $0x5C00  }
0x21: {  	s5 =	sand.u32 $0xF80, s23;
	s7 =	sor.u32 $0x30, s3;
	[sflag:s1] =	ssyncset.done @!p0 $0x0  }
0x22: {  	s24 =	sor.u32 s7, s5;
	[sflag:s1] =	ssyncadd.s32 @!p0 $0xFFFFA400  }
0x23: {  	v0 =	vld [tilespmem:s24+$0x0]  }
0x24: {  	s25 =	sor.u32 $0x10, s3;
	v1 =	vld [tilespmem:s23+$0x0]  }
0x25: {  	s8 =	sor.u32 $0x20, s3;
	s9 =	sor.u32 s25, s5  }
0x26: {  	s5 =	sor.u32 s8, s5;
	v2 =	vld [tilespmem:s9+$0x0]  }
0x27: {  	v3 =	vld [tilespmem:s5+$0x0]  }
0x28: {  	v4 =	vshll.u32 v0, $0x3  }
0x29: {  	v5 =	vshll.u32 v1, $0x3;
	v0 =	vand.u32 $0x7F, v0;
	v4 =	vand.u32 $0xFFFFFC00, v4  }
0x2a: {  	v1 =	vand.u32 $0x7F, v1;
	v6 =	vand.u32 $0xFFFFFC00, v5;
	v5 =	vor.u32 v0, v4  }
0x2b: {  	v0 =	vor.u32 v1, v6;
	v1 =	vshll.u32 v2, $0x3  }
0x2c: {  	v4 =	vshll.u32 v3, $0x3;
	v2 =	vand.u32 $0x7F, v2;
	v1 =	vand.u32 $0xFFFFFC00, v1  }
0x2d: {  	v6 =	vand.u32 $0xFFFFFC00, v4;
	v4 =	vor.u32 v2, v1;
	v1 =	vand.u32 $0x7F, v3  }
0x2e: {  	v3 =	vor.u32 v1, v6  }
0x2f: {  	v1 =	vld.idx.msk [tilespmem:v5+s16+$0x0], $0xffff  }
0x30: {  	v6 =	vor.u32 $0x80, v5;
	v2 =	vld.idx.msk [tilespmem:v0+s16+$0x0], $0xffff  }
0x31: {  	s2 =	sand.u32 $0x7C00, s23;
	v7 =	vor.u32 $0x80, v0  }
0x32: {  	s2 =	sadd.s32 $0xCB80, s2;
	v8 =	vld.idx.msk [tilespmem:v4+s16+$0x0], $0xffff  }
0x33: {  	s26 =	sor.u32 s7, s2;
	v9 =	vor.u32 $0x80, v4;
	v10 =	vld.idx.msk [tilespmem:v3+s16+$0x0], $0xffff  }
0x34: {  	s28 =	sor.u32 s3, s2;
	v11 =	vor.u32 $0x80, v3;
	[tilespmem:s26+$0x0] =	vst v1  }
0x35: {  	[tilespmem:s28+$0x0] =	vst v2;
	v1 =	vld.idx.msk [tilespmem:v6+s16+$0x0], $0xffff  }
0x36: {  	s12 =	sor.u32 s25, s2;
	v2 =	vld.idx.msk [tilespmem:v7+s16+$0x0], $0xffff;
	v6 =	vor.u32 $0x100, v5  }
0x37: {  	s1 =	sor.u32 s8, s2;
	v7 =	vor.u32 $0x100, v0;
	[tilespmem:s12+$0x0] =	vst v8  }
0x38: {  	v8 =	vld.idx.msk [tilespmem:v9+s16+$0x0], $0xffff;
	[tilespmem:s1+$0x0] =	vst v10  }
0x39: {  	v9 =	vor.u32 $0x100, v4;
	v10 =	vld.idx.msk [tilespmem:v11+s16+$0x0], $0xffff  }
0x3a: {  	v11 =	vor.u32 $0x100, v3;
	[tilespmem:s26+$0x80] =	vst v1  }
0x3b: {  	[tilespmem:s28+$0x80] =	vst v2;
	v1 =	vld.idx.msk [tilespmem:v6+s16+$0x0], $0xffff  }
0x3c: {  	v2 =	vld.idx.msk [tilespmem:v7+s16+$0x0], $0xffff;
	v6 =	vor.u32 $0x180, v5  }
0x3d: {  	v7 =	vor.u32 $0x180, v0;
	[tilespmem:s12+$0x80] =	vst v8  }
0x3e: {  	v8 =	vld.idx.msk [tilespmem:v9+s16+$0x0], $0xffff;
	[tilespmem:s1+$0x80] =	vst v10  }
0x3f: {  	s2 =	simm.s32 $0x40;
	v9 =	vor.u32 $0x180, v4;
	v10 =	vld.idx.msk [tilespmem:v11+s16+$0x0], $0xffff  }
0x40: {  	s7 =	sand.u32 $0x40, s2;
	v11 =	vld [tilespmem:s2+$0x0];
	[tilespmem:s26+$0x100] =	vst v1  }
0x41: {  	s21 =	sand.u32 $0xF80, s2;
	s11 =	sor.u32 $0x30, s7;
	[tilespmem:s28+$0x100] =	vst v2;
	v1 =	vld.idx.msk [tilespmem:v6+s16+$0x0], $0xffff  }
0x42: {  	s10 =	sor.u32 s11, s21;
	v2 =	vor.u32 $0x180, v3;
	v6 =	vld.idx.msk [tilespmem:v7+s16+$0x0], $0xffff  }
0x43: {  	s22 =	sor.u32 $0x10, s7;
	v7 =	vor.u32 $0x200, v5;
	[tilespmem:s12+$0x100] =	vst v8;
	v8 =	vld [tilespmem:s10+$0x0]  }
0x44: {  	s23 =	sor.u32 $0x20, s7;
	s13 =	sor.u32 s22, s21;
	v9 =	vld.idx.msk [tilespmem:v9+s16+$0x0], $0xffff  }
0x45: {  	s8 =	sor.u32 s23, s21;
	v13 =	vld [tilespmem:s13+$0x0];
	v12 =	vor.u32 $0x200, v4;
	v14 =	vshll.u32 v11, $0x3  }
0x46: {  	v15 =	vld [tilespmem:s8+$0x0];
	[tilespmem:s1+$0x100] =	vst v10;
	v10 =	vor.u32 $0x200, v0;
	v11 =	vand.u32 $0x7F, v11;
	v14 =	vand.u32 $0xFFFFFC00, v14  }
0x47: {  	p1 =	por $0x0, $0x0;
	s8 =	simm.s32 $0x1;
	v16 =	vld.idx.msk [tilespmem:v2+s16+$0x0], $0xffff;
	[tilespmem:s26+$0x180] =	vst v1;
	v1 =	vor.u32 v11, v14  }
0x48: {  	s8 =	simm.s32 @!p1 $0x0;
	v11 =	vor.u32 $0x200, v3;
	v7 =	vld.idx.msk [tilespmem:v7+s16+$0x0], $0xffff;
	v2 =	vshll.u32 v8, $0x3  }
0x49: {  	s8 =	sshll.u32 s8, $0x6;
	v8 =	vand.u32 $0x7F, v8;
	[tilespmem:s12+$0x180] =	vst v9;
	v2 =	vand.u32 $0xFFFFFC00, v2;
	v9 =	vor.u32 $0x280, v5  }
0x4a: {  	s5 =	sadd.s32 $0x0, s8;
	v14 =	vor.u32 $0x280, v4;
	[tilespmem:s28+$0x180] =	vst v6;
	v6 =	vld.idx.msk [tilespmem:v12+s16+$0x0], $0xffff;
	v12 =	vshll.u32 v13, $0x3;
	v2 =	vor.u32 v8, v2  }
0x4b: {  	s8 =	sadd.s32 $0x30, s5;
	v8 =	vld.idx.msk [tilespmem:v10+s16+$0x0], $0xffff;
	v10 =	vshll.u32 v15, $0x3;
	v13 =	vand.u32 $0x7F, v13;
	v12 =	vand.u32 $0xFFFFFC00, v12  }
0x4c: {  	s25 =	sor.u32 $0x200, s8;
	v10 =	vand.u32 $0xFFFFFC00, v10;
	[tilespmem:s1+$0x180] =	vst v16;
	v17 =	vld.idx.msk [tilespmem:v1+s16+$0x0], $0xffff;
	v21 =	vor.u32 v13, v12;
	v12 =	vand.u32 $0x7F, v15  }
0x4d: {  	s9 =	sadd.s32 $0x10, s5;
	v11 =	vld.idx.msk [tilespmem:v11+s16+$0x0], $0xffff;
	v10 =	vor.u32 v12, v10;
	[tilespmem:s25+$0xCB80] =	vst v7  }
0x4e: {  	s26 =	sor.u32 $0x200, s9;
	v7 =	vor.u32 $0x280, v0;
	v9 =	vld.idx.msk [tilespmem:v9+s16+$0x0], $0xffff  }
0x4f: {  	s3 =	simm.s32 $0x200;
	s28 =	sor.u32 $0x200, s5;
	v12 =	vor.u32 $0x280, v3;
	v13 =	vld.idx.msk [tilespmem:v2+s16+$0x0], $0xffff;
	[tilespmem:s26+$0xCB80] =	vst v6  }
0x50: {  	s15 =	sand.u32 $0x7C00, s3;
	s12 =	sadd.s32 $0x20, s5;
	[tilespmem:s28+$0xCB80] =	vst v8;
	v8 =	vor.u32 $0x80, v1;
	v6 =	vld.idx.msk [tilespmem:v14+s16+$0x0], $0xffff  }
0x51: {  	s13 =	sadd.s32 $0xCB80, s15;
	s14 =	sor.u32 $0x200, s12;
	v14 =	vor.u32 $0x300, v5;
	v15 =	vld.idx.msk [tilespmem:v21+s16+$0x0], $0xffff  }
0x52: {  	s29 =	sor.u32 s7, s13;
	v16 =	vor.u32 $0x80, v2;
	[tilespmem:s14+$0xCB80] =	vst v11;
	v18 =	vld.idx.msk [tilespmem:v10+s16+$0x0], $0xffff  }
0x53: {  	s18 =	sor.u32 $0x280, s8;
	v19 =	vor.u32 $0x80, v21;
	[tilespmem:s29+$0x0] =	vst v17;
	v7 =	vld.idx.msk [tilespmem:v7+s16+$0x0], $0xffff  }
0x54: {  	s20 =	sor.u32 s11, s13;
	v11 =	vor.u32 $0x80, v10;
	v12 =	vld.idx.msk [tilespmem:v12+s16+$0x0], $0xffff;
	[tilespmem:s18+$0xCB80] =	vst v9  }
0x55: {  	s21 =	sor.u32 $0x280, s9;
	v9 =	vor.u32 $0x300, v4;
	[tilespmem:s20+$0x0] =	vst v13;
	v8 =	vld.idx.msk [tilespmem:v8+s16+$0x0], $0xffff  }
0x56: {  	s24 =	sor.u32 s22, s13;
	v13 =	vld.idx.msk [tilespmem:v14+s16+$0x0], $0xffff;
	v14 =	vor.u32 $0x300, v3;
	[tilespmem:s21+$0xCB80] =	vst v6  }
0x57: {  	s7 =	sor.u32 s23, s13;
	v5 =	vor.u32 $0x380, v5;
	v16 =	vld.idx.msk [tilespmem:v16+s16+$0x0], $0xffff;
	[tilespmem:s24+$0x0] =	vst v15  }
0x58: {  	s22 =	sor.u32 $0x280, s12;
	v17 =	vor.u32 $0x100, v2;
	v15 =	vld.idx.msk [tilespmem:v19+s16+$0x0], $0xffff;
	[tilespmem:s7+$0x0] =	vst v18  }
0x59: {  	v18 =	vor.u32 $0x100, v1;
	[tilespmem:s22+$0xCB80] =	vst v12;
	v20 =	vld.idx.msk [tilespmem:v11+s16+$0x0], $0xffff  }
0x5a: {  	s23 =	sor.u32 $0x300, s8;
	v6 =	vor.u32 $0x100, v21;
	v22 =	vld.idx.msk [tilespmem:v9+s16+$0x0], $0xffff;
	[tilespmem:s29+$0x80] =	vst v8  }
0x5b: {  	v23 =	vor.u32 $0x100, v10;
	v14 =	vld.idx.msk [tilespmem:v14+s16+$0x0], $0xffff;
	[tilespmem:s23+$0xCB80] =	vst v13  }
0x5c: {  	[tilespmem:s20+$0x80] =	vst v16;
	v16 =	vor.u32 $0x300, v0;
	v24 =	vld.idx.msk [tilespmem:v5+s16+$0x0], $0xffff  }
0x5d: {  	v25 =	vor.u32 $0x380, v4;
	v19 =	vld.idx.msk [tilespmem:v17+s16+$0x0], $0xffff;
	[tilespmem:s24+$0x80] =	vst v15  }
0x5e: {  	s26 =	sor.u32 $0x300, s9;
	v4 =	vor.u32 $0x380, v21;
	v17 =	vld.idx.msk [tilespmem:v18+s16+$0x0], $0xffff;
	[tilespmem:s7+$0x80] =	vst v20  }
0x5f: {  	s25 =	sor.u32 $0x280, s5;
	v11 =	vor.u32 $0x200, v21;
	v8 =	vor.u32 $0x280, v21;
	v18 =	vld.idx.msk [tilespmem:v6+s16+$0x0], $0xffff;
	[tilespmem:s26+$0xCB80] =	vst v22;
	v22 =	vor.u32 $0x180, v2  }
0x60: {  	s15 =	simm.s32 $0x80;
	s13 =	sor.u32 $0x380, s12;
	[tilespmem:s25+$0xCB80] =	vst v7;
	v13 =	vor.u32 $0x180, v21;
	v6 =	vor.u32 $0x300, v21;
	v21 =	vor.u32 $0x180, v1;
	v20 =	vld.idx.msk [tilespmem:v23+s16+$0x0], $0xffff  }
0x61: {  	s28 =	sor.u32 $0x380, s8;
	s8 =	sor.u32 $0x380, s5;
	s14 =	simm.s32 $0x4;
	v3 =	vor.u32 $0x380, v3;
	v12 =	vor.u32 $0x180, v10;
	v7 =	vor.u32 $0x280, v10;
	v15 =	vld.idx.msk [tilespmem:v16+s16+$0x0], $0xffff  }
0x62: {  	s22 =	sor.u32 $0x300, s12;
	s25 =	sor.u32 $0x300, s5;
	v9 =	vor.u32 $0x200, v10;
	v5 =	vor.u32 $0x300, v10;
	v10 =	vor.u32 $0x380, v10;
	s26 =	sor.u32 $0x380, s9;
	v16 =	vld.idx.msk [tilespmem:v25+s16+$0x0], $0xffff;
	[tilespmem:s28+$0xCB80] =	vst v24  }
.LBB2_3:
0x63: {  	v23 =	vld [tilespmem:s15+$0x0];
	[tilespmem:s20+$0x100] =	vst v19;
	s2 =	sadd.s32 $0x40, s2  }
0x64: {  	s14 =	sadd.s32 $0x4, s14;
	s28 =	sand.u32 $0x40, s2;
	[tilespmem:s29+$0x100] =	vst v17;
	v17 =	vld.idx.msk [tilespmem:v22+s16+$0x0], $0xffff  }
0x65: {  	s1 =	sand.u32 $0xF80, s2;
	p2 =	slt.u32 s14, $0xB0;
	s5 =	sor.u32 $0x30, s28;
	v19 =	vld.idx.msk [tilespmem:v21+s16+$0x0], $0xffff;
	[tilespmem:s24+$0x100] =	vst v18  }
0x66: {  	s10 =	sor.u32 $0x10, s28;
	s9 =	sor.u32 $0x20, s28;
	v18 =	vor.u32 $0x200, v2;
	s11 =	sor.u32 s5, s1;
	v13 =	vld.idx.msk [tilespmem:v13+s16+$0x0], $0xffff;
	[tilespmem:s7+$0x100] =	vst v20  }
0x67: {  	v21 =	vor.u32 $0x200, v1;
	s12 =	sor.u32 s10, s1;
	s1 =	sor.u32 s9, s1;
	v20 =	vld [tilespmem:s11+$0x0];
	[tilespmem:s22+$0xCB80] =	vst v14  }
0x68: {  	v14 =	vld [tilespmem:s12+$0x0];
	[tilespmem:s25+$0xCB80] =	vst v15  }
0x69: {  	v15 =	vshll.u32 v23, $0x3;
	v22 =	vld [tilespmem:s1+$0x0];
	[tilespmem:s26+$0xCB80] =	vst v16  }
0x6a: {  	v16 =	vand.u32 $0x7F, v23;
	v15 =	vand.u32 $0xFFFFFC00, v15;
	v12 =	vld.idx.msk [tilespmem:v12+s16+$0x0], $0xffff;
	[tilespmem:s20+$0x180] =	vst v17;
	v17 =	vor.u32 $0x380, v0;
	v0 =	vmovc v1  }
0x6b: {  	p1 =	por !p1, !p1;
	s1 =	simm.s32 $0x1;
	v1 =	vor.u32 v16, v15;
	[tilespmem:s29+$0x180] =	vst v19;
	v15 =	vld.idx.msk [tilespmem:v18+s16+$0x0], $0xffff  }
0x6c: {  	s1 =	simm.s32 @!p1 $0x0;
	v16 =	vshll.u32 v20, $0x3;
	v18 =	vld.idx.msk [tilespmem:v21+s16+$0x0], $0xffff;
	[tilespmem:s24+$0x180] =	vst v13  }
0x6d: {  	s1 =	sshll.u32 s1, $0x6;
	v13 =	vand.u32 $0x7F, v20;
	v16 =	vand.u32 $0xFFFFFC00, v16;
	v19 =	vld.idx.msk [tilespmem:v11+s16+$0x0], $0xffff;
	v11 =	vor.u32 $0x280, v2  }
0x6e: {  	s20 =	sadd.s32 s1, s3;
	v20 =	vshll.u32 v14, $0x3;
	v21 =	vshll.u32 v22, $0x3;
	v16 =	vor.u32 v13, v16;
	v23 =	vld.idx.msk [tilespmem:v3+s16+$0x0], $0xffff;
	v3 =	vmovc v10  }
0x6f: {  	s24 =	sadd.s32 $0x10, s20;
	s29 =	sadd.s32 $0x20, s20;
	s11 =	sadd.s32 $0x30, s20;
	v10 =	vand.u32 $0x7F, v14;
	v13 =	vand.u32 $0xFFFFFC00, v20;
	v14 =	vand.u32 $0xFFFFFC00, v21;
	v17 =	vld.idx.msk [tilespmem:v17+s16+$0x0], $0xffff  }
0x70: {  	s26 =	sor.u32 $0x200, s24;
	s1 =	sor.u32 $0x200, s11;
	v10 =	vor.u32 v10, v13;
	v13 =	vand.u32 $0x7F, v22;
	v21 =	vor.u32 $0x280, v0;
	v20 =	vld.idx.msk [tilespmem:v1+s16+$0x0], $0xffff;
	[tilespmem:s7+$0x180] =	vst v12;
	s7 =	sor.u32 $0x200, s29  }
0x71: {  	s12 =	sor.u32 $0x200, s20;
	s23 =	sor.u32 $0x280, s24;
	s21 =	sor.u32 $0x280, s29;
	v22 =	vor.u32 $0x80, v10;
	v24 =	vor.u32 $0x100, v10;
	v14 =	vor.u32 v13, v14;
	v25 =	vld.idx.msk [tilespmem:v9+s16+$0x0], $0xffff;
	[tilespmem:s1+$0xCB80] =	vst v15  }
0x72: {  	s22 =	sor.u32 $0x300, s29;
	v13 =	vor.u32 $0x180, v10;
	v15 =	vor.u32 $0x80, v14;
	v26 =	vor.u32 $0x100, v14;
	s1 =	sor.u32 $0x280, s20;
	[tilespmem:s12+$0xCB80] =	vst v18;
	s12 =	sor.u32 $0x300, s24;
	v18 =	vld.idx.msk [tilespmem:v11+s16+$0x0], $0xffff  }
0x73: {  	s25 =	sor.u32 $0x300, s20;
	v12 =	vor.u32 $0x180, v14;
	v9 =	vor.u32 $0x200, v14;
	v11 =	vor.u32 $0x200, v10;
	v27 =	vld.idx.msk [tilespmem:v16+s16+$0x0], $0xffff;
	[tilespmem:s26+$0xCB80] =	vst v19;
	s26 =	sor.u32 $0x380, s24;
	s24 =	sor.u32 $0x380, s29  }
0x74: {  	v29 =	vor.u32 $0x300, v2;
	s20 =	sor.u32 $0x380, s20;
	v19 =	vor.u32 $0x280, v14;
	v28 =	vld.idx.msk [tilespmem:v8+s16+$0x0], $0xffff;
	v8 =	vor.u32 $0x280, v10;
	[tilespmem:s13+$0xCB80] =	vst v23;
	s13 =	smov.u32 s24  }
0x75: {  	s3 =	sadd.s32 $0x200, s3;
	v32 =	vor.u32 $0x80, v16;
	v30 =	vor.u32 $0x300, v10;
	v31 =	vor.u32 $0x300, v14;
	v23 =	vld.idx.msk [tilespmem:v10+s16+$0x0], $0xffff;
	[tilespmem:s8+$0xCB80] =	vst v17;
	s8 =	smov.u32 s20  }
0x76: {  	v33 =	vor.u32 $0x380, v10;
	s20 =	sand.u32 $0x7C00, s3;
	v17 =	vor.u32 $0x80, v1;
	v10 =	vor.u32 $0x380, v14;
	v34 =	vld.idx.msk [tilespmem:v14+s16+$0x0], $0xffff  }
0x77: {  	s18 =	sadd.s32 $0xCB80, s20;
	v35 =	vld.idx.msk [tilespmem:v21+s16+$0x0], $0xffff;
	[tilespmem:s7+$0xCB80] =	vst v25;
	s7 =	sor.u32 $0x280, s11  }
0x78: {  	s29 =	sor.u32 s28, s18;
	s24 =	sor.u32 s10, s18;
	s20 =	sor.u32 s5, s18;
	v14 =	vld.idx.msk [tilespmem:v7+s16+$0x0], $0xffff;
	[tilespmem:s7+$0xCB80] =	vst v18;
	v7 =	vmov v19  }
0x79: {  	s7 =	sor.u32 s9, s18;
	[tilespmem:s20+$0x0] =	vst v27;
	v18 =	vld.idx.msk [tilespmem:v29+s16+$0x0], $0xffff  }
0x7a: {  	[tilespmem:s29+$0x0] =	vst v20;
	v19 =	vld.idx.msk [tilespmem:v32+s16+$0x0], $0xffff  }
0x7b: {  	v20 =	vor.u32 $0x380, v2;
	v2 =	vmov v16;
	v17 =	vld.idx.msk [tilespmem:v17+s16+$0x0], $0xffff;
	[tilespmem:s24+$0x0] =	vst v23  }
0x7c: {  	v21 =	vor.u32 $0x100, v2;
	v16 =	vld.idx.msk [tilespmem:v22+s16+$0x0], $0xffff;
	[tilespmem:s7+$0x0] =	vst v34  }
0x7d: {  	v22 =	vor.u32 $0x100, v1;
	v15 =	vld.idx.msk [tilespmem:v15+s16+$0x0], $0xffff;
	[tilespmem:s23+$0xCB80] =	vst v28  }
0x7e: {  	s5 =	sor.u32 $0x300, s11;
	v23 =	vld.idx.msk [tilespmem:v6+s16+$0x0], $0xffff;
	[tilespmem:s21+$0xCB80] =	vst v14;
	v6 =	vmov v30  }
0x7f: {  	v14 =	vld.idx.msk [tilespmem:v5+s16+$0x0], $0xffff;
	[tilespmem:s5+$0xCB80] =	vst v18;
	v5 =	vmov v31  }
0x80: {  	v25 =	vor.u32 $0x300, v0;
	[tilespmem:s20+$0x80] =	vst v19;
	v27 =	vld.idx.msk [tilespmem:v20+s16+$0x0], $0xffff  }
0x81: {  	[tilespmem:s29+$0x80] =	vst v17;
	v19 =	vld.idx.msk [tilespmem:v21+s16+$0x0], $0xffff  }
.Ltmp0:
0x82: {  	v17 =	vld.idx.msk [tilespmem:v22+s16+$0x0], $0xffff;
	[tilespmem:s24+$0x80] =	vst v16;
	(pc) =	sbr.rel @p2 .LBB2_3-.Ltmp0, $4  }
0x83: {  	v22 =	vor.u32 $0x180, v2;
	v18 =	vld.idx.msk [tilespmem:v24+s16+$0x0], $0xffff;
	[tilespmem:s7+$0x80] =	vst v15  }
0x84: {  	v21 =	vor.u32 $0x180, v1;
	v20 =	vld.idx.msk [tilespmem:v26+s16+$0x0], $0xffff;
	[tilespmem:s1+$0xCB80] =	vst v35  }
0x85: {  	s1 =	sor.u32 $0x380, s11;
	v15 =	vld.idx.msk [tilespmem:v25+s16+$0x0], $0xffff;
	[tilespmem:s12+$0xCB80] =	vst v23  }
0x86: {  	s15 =	sadd.s32 $0x40, s15;
	v16 =	vld.idx.msk [tilespmem:v4+s16+$0x0], $0xffff;
	[tilespmem:s1+$0xCB80] =	vst v27;
	v4 =	vmov v33  }
0x87: {  	_ =	sdelay $0x2  }
0x88: {  	[tilespmem:s20+$0x100] =	vst v19  }
0x89: {  	v19 =	vld.idx.msk [tilespmem:v22+s16+$0x0], $0xffff;
	[tilespmem:s24+$0x100] =	vst v18  }
0x8a: {  	[tilespmem:s29+$0x100] =	vst v17;
	v18 =	vor.u32 $0x200, v2;
	v13 =	vld.idx.msk [tilespmem:v13+s16+$0x0], $0xffff  }
0x8b: {  	v17 =	vld.idx.msk [tilespmem:v21+s16+$0x0], $0xffff;
	[tilespmem:s7+$0x100] =	vst v20  }
0x8c: {  	v20 =	vor.u32 $0x200, v1;
	v12 =	vld.idx.msk [tilespmem:v12+s16+$0x0], $0xffff;
	_ =	sdelay $0x1  }
0x8d: {  	p1 =	por !p1, !p1;
	s1 =	simm.s32 $0x1;
	[tilespmem:s20+$0x180] =	vst v19  }
0x8e: {  	s1 =	simm.s32 @!p1 $0x0;
	v18 =	vld.idx.msk [tilespmem:v18+s16+$0x0], $0xffff;
	[tilespmem:s24+$0x180] =	vst v13  }
0x8f: {  	s1 =	sshll.u32 s1, $0x6;
	[tilespmem:s29+$0x180] =	vst v17;
	v13 =	vor.u32 $0x280, v2;
	v11 =	vld.idx.msk [tilespmem:v11+s16+$0x0], $0xffff  }
0x90: {  	s1 =	sadd.s32 s1, s3;
	[tilespmem:s7+$0x180] =	vst v12;
	v12 =	vld.idx.msk [tilespmem:v20+s16+$0x0], $0xffff  }
0x91: {  	s2 =	sadd.s32 $0x30, s1;
	v17 =	vor.u32 $0x280, v1;
	v9 =	vld.idx.msk [tilespmem:v9+s16+$0x0], $0xffff  }
0x92: {  	[tilespmem:s22+$0xCB80] =	vst v14;
	s3 =	sadd.s32 $0x10, s1;
	s5 =	sor.u32 $0x200, s2  }
0x93: {  	s9 =	sor.u32 $0x200, s3;
	[tilespmem:s5+$0xCB80] =	vst v18  }
0x94: {  	v0 =	vor.u32 $0x380, v0;
	s12 =	sadd.s32 $0x20, s1;
	s15 =	sor.u32 $0x200, s1;
	v13 =	vld.idx.msk [tilespmem:v13+s16+$0x0], $0xffff;
	[tilespmem:s9+$0xCB80] =	vst v11  }
0x95: {  	s14 =	sor.u32 $0x200, s12;
	v11 =	vor.u32 $0x300, v2;
	[tilespmem:s15+$0xCB80] =	vst v12;
	v8 =	vld.idx.msk [tilespmem:v8+s16+$0x0], $0xffff  }
0x96: {  	[tilespmem:s14+$0xCB80] =	vst v9;
	v9 =	vld.idx.msk [tilespmem:v17+s16+$0x0], $0xffff  }
0x97: {  	[tilespmem:s25+$0xCB80] =	vst v15;
	v12 =	vor.u32 $0x300, v1;
	v7 =	vld.idx.msk [tilespmem:v7+s16+$0x0], $0xffff  }
0x98: {  	v3 =	vld.idx.msk [tilespmem:v3+s16+$0x0], $0xffff;
	[tilespmem:s26+$0xCB80] =	vst v16;
	s18 =	sor.u32 $0x280, s2  }
0x99: {  	v0 =	vld.idx.msk [tilespmem:v0+s16+$0x0], $0xffff;
	s20 =	sor.u32 $0x280, s3;
	[tilespmem:s18+$0xCB80] =	vst v13  }
0x9a: {  	s22 =	sor.u32 $0x280, s1;
	v11 =	vld.idx.msk [tilespmem:v11+s16+$0x0], $0xffff;
	[tilespmem:s20+$0xCB80] =	vst v8  }
0x9b: {  	s21 =	sor.u32 $0x280, s12;
	v2 =	vor.u32 $0x380, v2;
	[tilespmem:s22+$0xCB80] =	vst v9;
	v6 =	vld.idx.msk [tilespmem:v6+s16+$0x0], $0xffff  }
0x9c: {  	[tilespmem:s21+$0xCB80] =	vst v7;
	v7 =	vld.idx.msk [tilespmem:v12+s16+$0x0], $0xffff  }
0x9d: {  	[tilespmem:s13+$0xCB80] =	vst v3;
	v1 =	vor.u32 $0x380, v1;
	v5 =	vld.idx.msk [tilespmem:v5+s16+$0x0], $0xffff  }
0x9e: {  	s23 =	sor.u32 $0x300, s2;
	[tilespmem:s8+$0xCB80] =	vst v0  }
0x9f: {  	s24 =	sor.u32 $0x300, s3;
	[tilespmem:s23+$0xCB80] =	vst v11  }
0xa0: {  	s26 =	sor.u32 $0x300, s1;
	v2 =	vld.idx.msk [tilespmem:v2+s16+$0x0], $0xffff;
	[tilespmem:s24+$0xCB80] =	vst v6  }
0xa1: {  	s25 =	sor.u32 $0x300, s12;
	[tilespmem:s26+$0xCB80] =	vst v7;
	v4 =	vld.idx.msk [tilespmem:v4+s16+$0x0], $0xffff  }
0xa2: {  	s28 =	smul.u32 $0x18, s30;
	[tilespmem:s25+$0xCB80] =	vst v5;
	v1 =	vld.idx.msk [tilespmem:v1+s16+$0x0], $0xffff  }
0xa3: {  	v5 =	vld.idx.msk [tilespmem:v10+s16+$0x0], $0xffff;
	s8 =	rddreg [dreg:$0x4]  }
0xa4: {  	s2 =	sor.u32 $0x380, s2;
	s5 =	sadd.s32 s8, s28  }
0xa5: {  	s3 =	sor.u32 $0x380, s3;
	s9 =	sshrl.u32 s5, $0x3;
	[tilespmem:s2+$0xCB80] =	vst v2  }
0xa6: {  	s1 =	sor.u32 $0x380, s1;
	s2 =	smul.u32 $0xB80, s9;
	[tilespmem:s3+$0xCB80] =	vst v4  }
0xa7: {  	s10 =	sor.u32 $0x380, s12;
	[tilespmem:s1+$0xCB80] =	vst v1  }
0xa8: {  	s12 =	simm.s32 $0xCB80;
	s13 =	simm.s32 $0x2;
	[tilespmem:s10+$0xCB80] =	vst v5;
	s11 =	sadd.s32 s6, s2  }
0xa9: {  	[hbm4b:s11+s4] =	stream.linear.scatter [tilespmem:s12], [sflag:$0x4], $0x5C00, $0x38;
	[tilespmem:$0x1DF80] =	vst v63  }
0xaa: {  	_ =	swait.ge [sflag:s13], $0x4000  }
0xab: {  	s14 =	rddreg [dreg:$0x8];
	[sflag:s13] =	ssyncset.done $0x0  }
0xac: {  	s1 =	sadd.s32 s14, s0;
	[sflag:s13] =	ssyncadd.s32 $0xFFFFC000  }
0xad: {  	s1 =	sshll.u32 s1, $0xB;
	s2 =	rddreg [dreg:$0x0]  }
0xae: {  	s1 =	sadd.s32 s2, s1  }
0xaf: {  	[tilespmem:s16], [sflag:$0x1] =	stream.linear.gather [hbm4b:s1+s4], $0x4000, $0x38;
	[tilespmem:$0x1DF80] =	vst v63  }
0xb0: {  	s15 =	simm.s32 $0x0;
	s1 =	simm.s32 @!p0 $0x5  }
0xb1: {  	s18 =	sand.u32 $0x40, s15;
	_ =	swait.ge @!p0 [sflag:s1], $0x5C00  }
0xb2: {  	s20 =	sand.u32 $0xF80, s15;
	s21 =	sor.u32 $0x30, s18;
	[sflag:s1] =	ssyncset.done @!p0 $0x0  }
0xb3: {  	s22 =	sor.u32 s21, s20;
	[sflag:s1] =	ssyncadd.s32 @!p0 $0xFFFFA400  }
0xb4: {  	v0 =	vld [tilespmem:s22+$0x0]  }
0xb5: {  	s23 =	sor.u32 $0x10, s18;
	v1 =	vld [tilespmem:s15+$0x0]  }
0xb6: {  	s24 =	sor.u32 $0x20, s18;
	s25 =	sor.u32 s23, s20  }
0xb7: {  	s5 =	sor.u32 s24, s20;
	v2 =	vld [tilespmem:s25+$0x0]  }
0xb8: {  	v3 =	vld [tilespmem:s5+$0x0]  }
0xb9: {  	v4 =	vshll.u32 v0, $0x3  }
0xba: {  	v5 =	vshll.u32 v1, $0x3;
	v0 =	vand.u32 $0x7F, v0;
	v4 =	vand.u32 $0xFFFFFC00, v4  }
0xbb: {  	v1 =	vand.u32 $0x7F, v1;
	v6 =	vand.u32 $0xFFFFFC00, v5;
	v5 =	vor.u32 v0, v4  }
0xbc: {  	v0 =	vor.u32 v1, v6;
	v1 =	vshll.u32 v2, $0x3  }
0xbd: {  	v4 =	vshll.u32 v3, $0x3;
	v2 =	vand.u32 $0x7F, v2;
	v1 =	vand.u32 $0xFFFFFC00, v1  }
0xbe: {  	v6 =	vand.u32 $0xFFFFFC00, v4;
	v4 =	vor.u32 v2, v1;
	v1 =	vand.u32 $0x7F, v3  }
0xbf: {  	v3 =	vor.u32 v1, v6  }
0xc0: {  	v1 =	vld.idx.msk [tilespmem:v5+s17+$0x0], $0xffff  }
0xc1: {  	v6 =	vor.u32 $0x80, v5;
	v2 =	vld.idx.msk [tilespmem:v0+s17+$0x0], $0xffff  }
0xc2: {  	s2 =	sand.u32 $0x7C00, s15;
	v7 =	vor.u32 $0x80, v0  }
0xc3: {  	s2 =	sadd.s32 $0x12780, s2;
	v8 =	vld.idx.msk [tilespmem:v4+s17+$0x0], $0xffff  }
0xc4: {  	s26 =	sor.u32 s21, s2;
	v9 =	vor.u32 $0x80, v4;
	v10 =	vld.idx.msk [tilespmem:v3+s17+$0x0], $0xffff  }
0xc5: {  	s28 =	sor.u32 s18, s2;
	v11 =	vor.u32 $0x80, v3;
	[tilespmem:s26+$0x0] =	vst v1  }
0xc6: {  	[tilespmem:s28+$0x0] =	vst v2;
	v1 =	vld.idx.msk [tilespmem:v6+s17+$0x0], $0xffff  }
0xc7: {  	s12 =	sor.u32 s23, s2;
	v2 =	vld.idx.msk [tilespmem:v7+s17+$0x0], $0xffff;
	v6 =	vor.u32 $0x100, v5  }
0xc8: {  	s1 =	sor.u32 s24, s2;
	v7 =	vor.u32 $0x100, v0;
	[tilespmem:s12+$0x0] =	vst v8  }
0xc9: {  	v8 =	vld.idx.msk [tilespmem:v9+s17+$0x0], $0xffff;
	[tilespmem:s1+$0x0] =	vst v10  }
0xca: {  	v9 =	vor.u32 $0x100, v4;
	v10 =	vld.idx.msk [tilespmem:v11+s17+$0x0], $0xffff  }
0xcb: {  	v11 =	vor.u32 $0x100, v3;
	[tilespmem:s26+$0x80] =	vst v1  }
0xcc: {  	[tilespmem:s28+$0x80] =	vst v2;
	v1 =	vld.idx.msk [tilespmem:v6+s17+$0x0], $0xffff  }
0xcd: {  	v2 =	vld.idx.msk [tilespmem:v7+s17+$0x0], $0xffff;
	v6 =	vor.u32 $0x180, v5  }
0xce: {  	v7 =	vor.u32 $0x180, v0;
	[tilespmem:s12+$0x80] =	vst v8  }
0xcf: {  	v8 =	vld.idx.msk [tilespmem:v9+s17+$0x0], $0xffff;
	[tilespmem:s1+$0x80] =	vst v10  }
0xd0: {  	s2 =	simm.s32 $0x40;
	v9 =	vor.u32 $0x180, v4;
	v10 =	vld.idx.msk [tilespmem:v11+s17+$0x0], $0xffff  }
0xd1: {  	s7 =	sand.u32 $0x40, s2;
	v11 =	vld [tilespmem:s2+$0x0];
	[tilespmem:s26+$0x100] =	vst v1  }
0xd2: {  	s21 =	sand.u32 $0xF80, s2;
	s11 =	sor.u32 $0x30, s7;
	[tilespmem:s28+$0x100] =	vst v2;
	v1 =	vld.idx.msk [tilespmem:v6+s17+$0x0], $0xffff  }
0xd3: {  	s10 =	sor.u32 s11, s21;
	v2 =	vor.u32 $0x180, v3;
	v6 =	vld.idx.msk [tilespmem:v7+s17+$0x0], $0xffff  }
0xd4: {  	s22 =	sor.u32 $0x10, s7;
	v7 =	vor.u32 $0x200, v5;
	[tilespmem:s12+$0x100] =	vst v8;
	v8 =	vld [tilespmem:s10+$0x0]  }
0xd5: {  	s23 =	sor.u32 $0x20, s7;
	s24 =	sor.u32 s22, s21;
	v9 =	vld.idx.msk [tilespmem:v9+s17+$0x0], $0xffff  }
0xd6: {  	s8 =	sor.u32 s23, s21;
	v13 =	vld [tilespmem:s24+$0x0];
	v12 =	vor.u32 $0x200, v4;
	v14 =	vshll.u32 v11, $0x3  }
0xd7: {  	v15 =	vld [tilespmem:s8+$0x0];
	[tilespmem:s1+$0x100] =	vst v10;
	v10 =	vor.u32 $0x200, v0;
	v11 =	vand.u32 $0x7F, v11;
	v14 =	vand.u32 $0xFFFFFC00, v14  }
0xd8: {  	p0 =	por $0x0, $0x0;
	s8 =	simm.s32 $0x1;
	v16 =	vld.idx.msk [tilespmem:v2+s17+$0x0], $0xffff;
	[tilespmem:s26+$0x180] =	vst v1;
	v1 =	vor.u32 v11, v14  }
0xd9: {  	s8 =	simm.s32 @!p0 $0x0;
	v11 =	vor.u32 $0x200, v3;
	v7 =	vld.idx.msk [tilespmem:v7+s17+$0x0], $0xffff;
	v2 =	vshll.u32 v8, $0x3  }
0xda: {  	s8 =	sshll.u32 s8, $0x6;
	v8 =	vand.u32 $0x7F, v8;
	[tilespmem:s12+$0x180] =	vst v9;
	v2 =	vand.u32 $0xFFFFFC00, v2;
	v9 =	vor.u32 $0x280, v5  }
0xdb: {  	s5 =	sadd.s32 $0x0, s8;
	v14 =	vor.u32 $0x280, v4;
	[tilespmem:s28+$0x180] =	vst v6;
	v6 =	vld.idx.msk [tilespmem:v12+s17+$0x0], $0xffff;
	v12 =	vshll.u32 v13, $0x3;
	v2 =	vor.u32 v8, v2  }
0xdc: {  	s8 =	sadd.s32 $0x30, s5;
	v8 =	vld.idx.msk [tilespmem:v10+s17+$0x0], $0xffff;
	v10 =	vshll.u32 v15, $0x3;
	v13 =	vand.u32 $0x7F, v13;
	v12 =	vand.u32 $0xFFFFFC00, v12  }
0xdd: {  	s25 =	sor.u32 $0x200, s8;
	v10 =	vand.u32 $0xFFFFFC00, v10;
	[tilespmem:s1+$0x180] =	vst v16;
	v17 =	vld.idx.msk [tilespmem:v1+s17+$0x0], $0xffff;
	v21 =	vor.u32 v13, v12;
	v12 =	vand.u32 $0x7F, v15  }
0xde: {  	s9 =	sadd.s32 $0x10, s5;
	v11 =	vld.idx.msk [tilespmem:v11+s17+$0x0], $0xffff;
	v10 =	vor.u32 v12, v10;
	[tilespmem:s25+$0x12780] =	vst v7  }
0xdf: {  	s26 =	sor.u32 $0x200, s9;
	v7 =	vor.u32 $0x280, v0;
	v9 =	vld.idx.msk [tilespmem:v9+s17+$0x0], $0xffff  }
0xe0: {  	s3 =	simm.s32 $0x200;
	s28 =	sor.u32 $0x200, s5;
	v12 =	vor.u32 $0x280, v3;
	v13 =	vld.idx.msk [tilespmem:v2+s17+$0x0], $0xffff;
	[tilespmem:s26+$0x12780] =	vst v6  }
0xe1: {  	s15 =	sand.u32 $0x7C00, s3;
	s12 =	sadd.s32 $0x20, s5;
	[tilespmem:s28+$0x12780] =	vst v8;
	v8 =	vor.u32 $0x80, v1;
	v6 =	vld.idx.msk [tilespmem:v14+s17+$0x0], $0xffff  }
0xe2: {  	s13 =	sadd.s32 $0x12780, s15;
	s14 =	sor.u32 $0x200, s12;
	v14 =	vor.u32 $0x300, v5;
	v15 =	vld.idx.msk [tilespmem:v21+s17+$0x0], $0xffff  }
0xe3: {  	s29 =	sor.u32 s7, s13;
	v16 =	vor.u32 $0x80, v2;
	[tilespmem:s14+$0x12780] =	vst v11;
	v18 =	vld.idx.msk [tilespmem:v10+s17+$0x0], $0xffff  }
0xe4: {  	s18 =	sor.u32 $0x280, s8;
	v19 =	vor.u32 $0x80, v21;
	[tilespmem:s29+$0x0] =	vst v17;
	v7 =	vld.idx.msk [tilespmem:v7+s17+$0x0], $0xffff  }
0xe5: {  	s20 =	sor.u32 s11, s13;
	v11 =	vor.u32 $0x80, v10;
	v12 =	vld.idx.msk [tilespmem:v12+s17+$0x0], $0xffff;
	[tilespmem:s18+$0x12780] =	vst v9  }
0xe6: {  	s21 =	sor.u32 $0x280, s9;
	v9 =	vor.u32 $0x300, v4;
	[tilespmem:s20+$0x0] =	vst v13;
	v8 =	vld.idx.msk [tilespmem:v8+s17+$0x0], $0xffff  }
0xe7: {  	s24 =	sor.u32 s22, s13;
	v13 =	vld.idx.msk [tilespmem:v14+s17+$0x0], $0xffff;
	v14 =	vor.u32 $0x300, v3;
	[tilespmem:s21+$0x12780] =	vst v6  }
0xe8: {  	s7 =	sor.u32 s23, s13;
	v5 =	vor.u32 $0x380, v5;
	v16 =	vld.idx.msk [tilespmem:v16+s17+$0x0], $0xffff;
	[tilespmem:s24+$0x0] =	vst v15  }
0xe9: {  	s22 =	sor.u32 $0x280, s12;
	v17 =	vor.u32 $0x100, v2;
	v15 =	vld.idx.msk [tilespmem:v19+s17+$0x0], $0xffff;
	[tilespmem:s7+$0x0] =	vst v18  }
0xea: {  	v18 =	vor.u32 $0x100, v1;
	[tilespmem:s22+$0x12780] =	vst v12;
	v20 =	vld.idx.msk [tilespmem:v11+s17+$0x0], $0xffff  }
0xeb: {  	s23 =	sor.u32 $0x300, s8;
	v6 =	vor.u32 $0x100, v21;
	v22 =	vld.idx.msk [tilespmem:v9+s17+$0x0], $0xffff;
	[tilespmem:s29+$0x80] =	vst v8  }
0xec: {  	v23 =	vor.u32 $0x100, v10;
	v14 =	vld.idx.msk [tilespmem:v14+s17+$0x0], $0xffff;
	[tilespmem:s23+$0x12780] =	vst v13  }
0xed: {  	[tilespmem:s20+$0x80] =	vst v16;
	v16 =	vor.u32 $0x300, v0;
	v24 =	vld.idx.msk [tilespmem:v5+s17+$0x0], $0xffff  }
0xee: {  	v25 =	vor.u32 $0x380, v4;
	v19 =	vld.idx.msk [tilespmem:v17+s17+$0x0], $0xffff;
	[tilespmem:s24+$0x80] =	vst v15  }
0xef: {  	s26 =	sor.u32 $0x300, s9;
	v4 =	vor.u32 $0x380, v21;
	v17 =	vld.idx.msk [tilespmem:v18+s17+$0x0], $0xffff;
	[tilespmem:s7+$0x80] =	vst v20  }
0xf0: {  	s25 =	sor.u32 $0x280, s5;
	v11 =	vor.u32 $0x200, v21;
	v8 =	vor.u32 $0x280, v21;
	v18 =	vld.idx.msk [tilespmem:v6+s17+$0x0], $0xffff;
	[tilespmem:s26+$0x12780] =	vst v22;
	v22 =	vor.u32 $0x180, v2  }
0xf1: {  	s15 =	simm.s32 $0x80;
	s13 =	sor.u32 $0x380, s12;
	[tilespmem:s25+$0x12780] =	vst v7;
	v13 =	vor.u32 $0x180, v21;
	v6 =	vor.u32 $0x300, v21;
	v21 =	vor.u32 $0x180, v1;
	v20 =	vld.idx.msk [tilespmem:v23+s17+$0x0], $0xffff  }
0xf2: {  	s28 =	sor.u32 $0x380, s8;
	s8 =	sor.u32 $0x380, s5;
	s14 =	simm.s32 $0x4;
	v3 =	vor.u32 $0x380, v3;
	v12 =	vor.u32 $0x180, v10;
	v7 =	vor.u32 $0x280, v10;
	v15 =	vld.idx.msk [tilespmem:v16+s17+$0x0], $0xffff  }
0xf3: {  	s22 =	sor.u32 $0x300, s12;
	s25 =	sor.u32 $0x300, s5;
	v9 =	vor.u32 $0x200, v10;
	v5 =	vor.u32 $0x300, v10;
	v10 =	vor.u32 $0x380, v10;
	s26 =	sor.u32 $0x380, s9;
	v16 =	vld.idx.msk [tilespmem:v25+s17+$0x0], $0xffff;
	[tilespmem:s28+$0x12780] =	vst v24  }
.LBB2_5:
0xf4: {  	v23 =	vld [tilespmem:s15+$0x0];
	[tilespmem:s20+$0x100] =	vst v19;
	s2 =	sadd.s32 $0x40, s2  }
0xf5: {  	s14 =	sadd.s32 $0x4, s14;
	s28 =	sand.u32 $0x40, s2;
	[tilespmem:s29+$0x100] =	vst v17;
	v17 =	vld.idx.msk [tilespmem:v22+s17+$0x0], $0xffff  }
0xf6: {  	s1 =	sand.u32 $0xF80, s2;
	p1 =	slt.u32 s14, $0xB0;
	s5 =	sor.u32 $0x30, s28;
	v19 =	vld.idx.msk [tilespmem:v21+s17+$0x0], $0xffff;
	[tilespmem:s24+$0x100] =	vst v18  }
0xf7: {  	s10 =	sor.u32 $0x10, s28;
	s9 =	sor.u32 $0x20, s28;
	v18 =	vor.u32 $0x200, v2;
	s11 =	sor.u32 s5, s1;
	v13 =	vld.idx.msk [tilespmem:v13+s17+$0x0], $0xffff;
	[tilespmem:s7+$0x100] =	vst v20  }
0xf8: {  	v21 =	vor.u32 $0x200, v1;
	s12 =	sor.u32 s10, s1;
	s1 =	sor.u32 s9, s1;
	v20 =	vld [tilespmem:s11+$0x0];
	[tilespmem:s22+$0x12780] =	vst v14  }
0xf9: {  	v14 =	vld [tilespmem:s12+$0x0];
	[tilespmem:s25+$0x12780] =	vst v15  }
0xfa: {  	v15 =	vshll.u32 v23, $0x3;
	v22 =	vld [tilespmem:s1+$0x0];
	[tilespmem:s26+$0x12780] =	vst v16  }
0xfb: {  	v16 =	vand.u32 $0x7F, v23;
	v15 =	vand.u32 $0xFFFFFC00, v15;
	v12 =	vld.idx.msk [tilespmem:v12+s17+$0x0], $0xffff;
	[tilespmem:s20+$0x180] =	vst v17;
	v17 =	vor.u32 $0x380, v0;
	v0 =	vmovc v1  }
0xfc: {  	p0 =	por !p0, !p0;
	s1 =	simm.s32 $0x1;
	v1 =	vor.u32 v16, v15;
	[tilespmem:s29+$0x180] =	vst v19;
	v15 =	vld.idx.msk [tilespmem:v18+s17+$0x0], $0xffff  }
0xfd: {  	s1 =	simm.s32 @!p0 $0x0;
	v16 =	vshll.u32 v20, $0x3;
	v18 =	vld.idx.msk [tilespmem:v21+s17+$0x0], $0xffff;
	[tilespmem:s24+$0x180] =	vst v13  }
0xfe: {  	s1 =	sshll.u32 s1, $0x6;
	v13 =	vand.u32 $0x7F, v20;
	v16 =	vand.u32 $0xFFFFFC00, v16;
	v19 =	vld.idx.msk [tilespmem:v11+s17+$0x0], $0xffff;
	v11 =	vor.u32 $0x280, v2  }
0xff: {  	s18 =	sadd.s32 s1, s3;
	v20 =	vshll.u32 v14, $0x3;
	v21 =	vshll.u32 v22, $0x3;
	v16 =	vor.u32 v13, v16;
	v23 =	vld.idx.msk [tilespmem:v3+s17+$0x0], $0xffff;
	v3 =	vmovc v10  }
0x100: {  	s20 =	sadd.s32 $0x10, s18;
	s24 =	sadd.s32 $0x20, s18;
	s11 =	sadd.s32 $0x30, s18;
	v10 =	vand.u32 $0x7F, v14;
	v13 =	vand.u32 $0xFFFFFC00, v20;
	v14 =	vand.u32 $0xFFFFFC00, v21;
	v17 =	vld.idx.msk [tilespmem:v17+s17+$0x0], $0xffff  }
0x101: {  	s26 =	sor.u32 $0x200, s20;
	s1 =	sor.u32 $0x200, s11;
	v10 =	vor.u32 v10, v13;
	v13 =	vand.u32 $0x7F, v22;
	v21 =	vor.u32 $0x280, v0;
	v20 =	vld.idx.msk [tilespmem:v1+s17+$0x0], $0xffff;
	[tilespmem:s7+$0x180] =	vst v12;
	s7 =	sor.u32 $0x200, s24  }
0x102: {  	s12 =	sor.u32 $0x200, s18;
	s23 =	sor.u32 $0x280, s20;
	s21 =	sor.u32 $0x280, s24;
	v22 =	vor.u32 $0x80, v10;
	v24 =	vor.u32 $0x100, v10;
	v14 =	vor.u32 v13, v14;
	v25 =	vld.idx.msk [tilespmem:v9+s17+$0x0], $0xffff;
	[tilespmem:s1+$0x12780] =	vst v15  }
0x103: {  	s22 =	sor.u32 $0x300, s24;
	v13 =	vor.u32 $0x180, v10;
	v15 =	vor.u32 $0x80, v14;
	v26 =	vor.u32 $0x100, v14;
	s1 =	sor.u32 $0x280, s18;
	[tilespmem:s12+$0x12780] =	vst v18;
	s12 =	sor.u32 $0x300, s20;
	v18 =	vld.idx.msk [tilespmem:v11+s17+$0x0], $0xffff  }
0x104: {  	s25 =	sor.u32 $0x300, s18;
	v12 =	vor.u32 $0x180, v14;
	v9 =	vor.u32 $0x200, v14;
	v11 =	vor.u32 $0x200, v10;
	v27 =	vld.idx.msk [tilespmem:v16+s17+$0x0], $0xffff;
	[tilespmem:s26+$0x12780] =	vst v19;
	s26 =	sor.u32 $0x380, s20;
	s20 =	sor.u32 $0x380, s24  }
0x105: {  	v29 =	vor.u32 $0x300, v2;
	s18 =	sor.u32 $0x380, s18;
	v19 =	vor.u32 $0x280, v14;
	v28 =	vld.idx.msk [tilespmem:v8+s17+$0x0], $0xffff;
	v8 =	vor.u32 $0x280, v10;
	[tilespmem:s13+$0x12780] =	vst v23;
	s13 =	smov.u32 s20  }
0x106: {  	s3 =	sadd.s32 $0x200, s3;
	v32 =	vor.u32 $0x80, v16;
	v30 =	vor.u32 $0x300, v10;
	v31 =	vor.u32 $0x300, v14;
	v23 =	vld.idx.msk [tilespmem:v10+s17+$0x0], $0xffff;
	[tilespmem:s8+$0x12780] =	vst v17;
	s8 =	smov.u32 s18  }
0x107: {  	v33 =	vor.u32 $0x380, v10;
	s18 =	sand.u32 $0x7C00, s3;
	v17 =	vor.u32 $0x80, v1;
	v10 =	vor.u32 $0x380, v14;
	v34 =	vld.idx.msk [tilespmem:v14+s17+$0x0], $0xffff  }
0x108: {  	s18 =	sadd.s32 $0x12780, s18;
	v35 =	vld.idx.msk [tilespmem:v21+s17+$0x0], $0xffff;
	[tilespmem:s7+$0x12780] =	vst v25;
	s7 =	sor.u32 $0x280, s11  }
0x109: {  	s29 =	sor.u32 s28, s18;
	s24 =	sor.u32 s10, s18;
	s20 =	sor.u32 s5, s18;
	v14 =	vld.idx.msk [tilespmem:v7+s17+$0x0], $0xffff;
	[tilespmem:s7+$0x12780] =	vst v18;
	v7 =	vmov v19  }
0x10a: {  	s7 =	sor.u32 s9, s18;
	[tilespmem:s20+$0x0] =	vst v27;
	v18 =	vld.idx.msk [tilespmem:v29+s17+$0x0], $0xffff  }
0x10b: {  	[tilespmem:s29+$0x0] =	vst v20;
	v19 =	vld.idx.msk [tilespmem:v32+s17+$0x0], $0xffff  }
0x10c: {  	v20 =	vor.u32 $0x380, v2;
	v2 =	vmov v16;
	v17 =	vld.idx.msk [tilespmem:v17+s17+$0x0], $0xffff;
	[tilespmem:s24+$0x0] =	vst v23  }
0x10d: {  	v21 =	vor.u32 $0x100, v2;
	v16 =	vld.idx.msk [tilespmem:v22+s17+$0x0], $0xffff;
	[tilespmem:s7+$0x0] =	vst v34  }
0x10e: {  	v22 =	vor.u32 $0x100, v1;
	v15 =	vld.idx.msk [tilespmem:v15+s17+$0x0], $0xffff;
	[tilespmem:s23+$0x12780] =	vst v28  }
0x10f: {  	s5 =	sor.u32 $0x300, s11;
	v23 =	vld.idx.msk [tilespmem:v6+s17+$0x0], $0xffff;
	[tilespmem:s21+$0x12780] =	vst v14;
	v6 =	vmov v30  }
0x110: {  	v14 =	vld.idx.msk [tilespmem:v5+s17+$0x0], $0xffff;
	[tilespmem:s5+$0x12780] =	vst v18;
	v5 =	vmov v31  }
0x111: {  	v25 =	vor.u32 $0x300, v0;
	[tilespmem:s20+$0x80] =	vst v19;
	v27 =	vld.idx.msk [tilespmem:v20+s17+$0x0], $0xffff  }
0x112: {  	[tilespmem:s29+$0x80] =	vst v17;
	v19 =	vld.idx.msk [tilespmem:v21+s17+$0x0], $0xffff  }
.Ltmp1:
0x113: {  	v17 =	vld.idx.msk [tilespmem:v22+s17+$0x0], $0xffff;
	[tilespmem:s24+$0x80] =	vst v16;
	(pc) =	sbr.rel @p1 .LBB2_5-.Ltmp1, $4  }
0x114: {  	v22 =	vor.u32 $0x180, v2;
	v18 =	vld.idx.msk [tilespmem:v24+s17+$0x0], $0xffff;
	[tilespmem:s7+$0x80] =	vst v15  }
0x115: {  	v21 =	vor.u32 $0x180, v1;
	v20 =	vld.idx.msk [tilespmem:v26+s17+$0x0], $0xffff;
	[tilespmem:s1+$0x12780] =	vst v35  }
0x116: {  	s1 =	sor.u32 $0x380, s11;
	v15 =	vld.idx.msk [tilespmem:v25+s17+$0x0], $0xffff;
	[tilespmem:s12+$0x12780] =	vst v23  }
0x117: {  	s15 =	sadd.s32 $0x40, s15;
	v16 =	vld.idx.msk [tilespmem:v4+s17+$0x0], $0xffff;
	[tilespmem:s1+$0x12780] =	vst v27;
	v4 =	vmov v33  }
0x118: {  	_ =	sdelay $0x2  }
0x119: {  	[tilespmem:s20+$0x100] =	vst v19  }
0x11a: {  	v19 =	vld.idx.msk [tilespmem:v22+s17+$0x0], $0xffff  }
0x11b: {  	[tilespmem:s24+$0x100] =	vst v18;
	v18 =	vor.u32 $0x200, v2  }
0x11c: {  	v13 =	vld.idx.msk [tilespmem:v13+s17+$0x0], $0xffff  }
0x11d: {  	[tilespmem:s29+$0x100] =	vst v17  }
0x11e: {  	v17 =	vld.idx.msk [tilespmem:v21+s17+$0x0], $0xffff;
	[tilespmem:s7+$0x100] =	vst v20  }
0x11f: {  	p0 =	por !p0, !p0;
	s1 =	simm.s32 $0x1;
	v20 =	vor.u32 $0x200, v1;
	v12 =	vld.idx.msk [tilespmem:v12+s17+$0x0], $0xffff;
	[tilespmem:s20+$0x180] =	vst v19  }
0x120: {  	s1 =	simm.s32 @!p0 $0x0;
	v18 =	vld.idx.msk [tilespmem:v18+s17+$0x0], $0xffff  }
0x121: {  	s1 =	sshll.u32 s1, $0x6;
	[tilespmem:s24+$0x180] =	vst v13;
	v13 =	vor.u32 $0x280, v2  }
0x122: {  	s1 =	sadd.s32 s1, s3;
	v11 =	vld.idx.msk [tilespmem:v11+s17+$0x0], $0xffff  }
0x123: {  	s2 =	sadd.s32 $0x30, s1;
	[tilespmem:s29+$0x180] =	vst v17  }
0x124: {  	s5 =	sor.u32 $0x200, s2;
	[tilespmem:s7+$0x180] =	vst v12;
	v12 =	vld.idx.msk [tilespmem:v20+s17+$0x0], $0xffff  }
0x125: {  	s3 =	sadd.s32 $0x10, s1;
	v17 =	vor.u32 $0x280, v1;
	v9 =	vld.idx.msk [tilespmem:v9+s17+$0x0], $0xffff;
	[tilespmem:s5+$0x12780] =	vst v18  }
0x126: {  	s9 =	sor.u32 $0x200, s3;
	v13 =	vld.idx.msk [tilespmem:v13+s17+$0x0], $0xffff  }
0x127: {  	[tilespmem:s9+$0x12780] =	vst v11;
	v11 =	vor.u32 $0x300, v2  }
0x128: {  	[tilespmem:s22+$0x12780] =	vst v14;
	s15 =	sadd.s32 $0x20, s1;
	s20 =	sor.u32 $0x200, s1  }
0x129: {  	v0 =	vor.u32 $0x380, v0;
	s18 =	sor.u32 $0x200, s15;
	[tilespmem:s20+$0x12780] =	vst v12;
	v8 =	vld.idx.msk [tilespmem:v8+s17+$0x0], $0xffff  }
0x12a: {  	s21 =	sor.u32 $0x280, s2;
	[tilespmem:s18+$0x12780] =	vst v9;
	v9 =	vld.idx.msk [tilespmem:v17+s17+$0x0], $0xffff  }
0x12b: {  	v12 =	vor.u32 $0x300, v1;
	v7 =	vld.idx.msk [tilespmem:v7+s17+$0x0], $0xffff;
	[tilespmem:s21+$0x12780] =	vst v13  }
0x12c: {  	[tilespmem:s25+$0x12780] =	vst v15;
	v11 =	vld.idx.msk [tilespmem:v11+s17+$0x0], $0xffff  }
0x12d: {  	v3 =	vld.idx.msk [tilespmem:v3+s17+$0x0], $0xffff;
	[tilespmem:s26+$0x12780] =	vst v16;
	s22 =	sor.u32 $0x280, s3;
	v2 =	vor.u32 $0x380, v2  }
0x12e: {  	v0 =	vld.idx.msk [tilespmem:v0+s17+$0x0], $0xffff;
	s24 =	sor.u32 $0x280, s1;
	[tilespmem:s22+$0x12780] =	vst v8  }
0x12f: {  	s23 =	sor.u32 $0x280, s15;
	[tilespmem:s24+$0x12780] =	vst v9;
	v6 =	vld.idx.msk [tilespmem:v6+s17+$0x0], $0xffff  }
0x130: {  	s25 =	sor.u32 $0x300, s2;
	[tilespmem:s23+$0x12780] =	vst v7;
	v7 =	vld.idx.msk [tilespmem:v12+s17+$0x0], $0xffff  }
0x131: {  	v1 =	vor.u32 $0x380, v1;
	v5 =	vld.idx.msk [tilespmem:v5+s17+$0x0], $0xffff;
	[tilespmem:s25+$0x12780] =	vst v11  }
0x132: {  	[tilespmem:s13+$0x12780] =	vst v3;
	v2 =	vld.idx.msk [tilespmem:v2+s17+$0x0], $0xffff  }
0x133: {  	s26 =	sor.u32 $0x300, s3;
	[tilespmem:s8+$0x12780] =	vst v0  }
0x134: {  	s10 =	sor.u32 $0x300, s1;
	[tilespmem:s26+$0x12780] =	vst v6  }
0x135: {  	s28 =	sor.u32 $0x300, s15;
	[tilespmem:s10+$0x12780] =	vst v7;
	v4 =	vld.idx.msk [tilespmem:v4+s17+$0x0], $0xffff  }
0x136: {  	s2 =	sor.u32 $0x380, s2;
	[tilespmem:s28+$0x12780] =	vst v5;
	v1 =	vld.idx.msk [tilespmem:v1+s17+$0x0], $0xffff  }
0x137: {  	v5 =	vld.idx.msk [tilespmem:v10+s17+$0x0], $0xffff;
	[tilespmem:s2+$0x12780] =	vst v2  }
0x138: {  	s2 =	rddreg [dreg:$0x9]  }
0x139: {  	s3 =	sor.u32 $0x380, s3;
	s2 =	sadd.s32 s2, s0  }
0x13a: {  	s1 =	sor.u32 $0x380, s1;
	[tilespmem:s3+$0x12780] =	vst v4;
	s2 =	smul.u32 $0xB80, s2  }
0x13b: {  	s11 =	sor.u32 $0x380, s15;
	[tilespmem:s1+$0x12780] =	vst v1  }
0x13c: {  	s14 =	simm.s32 $0x3;
	s13 =	simm.s32 $0x12780;
	[tilespmem:s11+$0x12780] =	vst v5;
	s12 =	sadd.s32 s6, s2  }
0x13d: {  	[hbm4b:s12+s4] =	stream.linear.scatter [tilespmem:s13], [sflag:$0x5], $0x5C00, $0x38;
	[tilespmem:$0x1DF80] =	vst v63  }
0x13e: {  	_ =	swait.ge [sflag:s14], $0x4000  }
0x13f: {  	p0 =	seq.s32 s30, $0x14;
	[sflag:s14] =	ssyncset.done $0x0;
	s1 =	rddreg [dreg:$0xa]  }
0x140: {  	s0 =	sadd.s32 @!p0 s1, s0;
	[sflag:s14] =	ssyncadd.s32 $0xFFFFC000  }
0x141: {  	p1 =	seq.s32 @!p0 s30, $0x0;
	s0 =	sshll.u32 @!p0 s0, $0xB;
	s1 =	rddreg [dreg:$0x0]  }
0x142: {  	s2 =	simm.s32 @!p0 $0x4B80;
	s0 =	sadd.s32 @!p0 s1, s0;
	s1 =	simm.s32 @!p0 $0x0  }
0x143: {  	[tilespmem:s2], [sflag:$0x2] =	stream.linear.gather @!p0 [hbm4b:s0+s1], $0x4000, $0x38;
	[tilespmem:$0x1DF80] =	vst v63  }
0x144: {  	p0 =	por p0, !p1  }
0x145: {  	s15 =	simm.s32 $0x0;
	s0 =	simm.s32 @p0 $0x6  }
0x146: {  	s18 =	sand.u32 $0x40, s15;
	_ =	swait.ge @p0 [sflag:s0], $0x5C00  }
0x147: {  	s20 =	sand.u32 $0xF80, s15;
	s21 =	sor.u32 $0x30, s18;
	[sflag:s0] =	ssyncset.done @p0 $0x0  }
0x148: {  	s22 =	sor.u32 s21, s20;
	[sflag:s0] =	ssyncadd.s32 @p0 $0xFFFFA400  }
0x149: {  	v0 =	vld [tilespmem:s22+$0x0]  }
0x14a: {  	s23 =	sor.u32 $0x10, s18;
	v1 =	vld [tilespmem:s15+$0x0]  }
0x14b: {  	s24 =	sor.u32 $0x20, s18;
	s25 =	sor.u32 s23, s20  }
0x14c: {  	s2 =	sor.u32 s24, s20;
	v2 =	vld [tilespmem:s25+$0x0]  }
0x14d: {  	v3 =	vld [tilespmem:s2+$0x0]  }
0x14e: {  	v4 =	vshll.u32 v0, $0x3  }
0x14f: {  	v5 =	vshll.u32 v1, $0x3;
	v0 =	vand.u32 $0x7F, v0;
	v4 =	vand.u32 $0xFFFFFC00, v4  }
0x150: {  	v1 =	vand.u32 $0x7F, v1;
	v6 =	vand.u32 $0xFFFFFC00, v5;
	v5 =	vor.u32 v0, v4  }
0x151: {  	v0 =	vor.u32 v1, v6;
	v1 =	vshll.u32 v2, $0x3  }
0x152: {  	v4 =	vshll.u32 v3, $0x3;
	v2 =	vand.u32 $0x7F, v2;
	v1 =	vand.u32 $0xFFFFFC00, v1  }
0x153: {  	v6 =	vand.u32 $0xFFFFFC00, v4;
	v4 =	vor.u32 v2, v1;
	v1 =	vand.u32 $0x7F, v3  }
0x154: {  	v3 =	vor.u32 v1, v6  }
0x155: {  	v1 =	vld.idx.msk [tilespmem:v5+s19+$0x0], $0xffff  }
0x156: {  	v6 =	vor.u32 $0x80, v5;
	v2 =	vld.idx.msk [tilespmem:v0+s19+$0x0], $0xffff  }
0x157: {  	s0 =	sand.u32 $0x7C00, s15;
	v7 =	vor.u32 $0x80, v0  }
0x158: {  	s0 =	sor.u32 $0x18380, s0;
	v8 =	vld.idx.msk [tilespmem:v4+s19+$0x0], $0xffff  }
0x159: {  	s26 =	sor.u32 s21, s0;
	v9 =	vor.u32 $0x80, v4;
	v10 =	vld.idx.msk [tilespmem:v3+s19+$0x0], $0xffff  }
0x15a: {  	s28 =	sor.u32 s18, s0;
	v11 =	vor.u32 $0x80, v3;
	[tilespmem:s26+$0x0] =	vst v1  }
0x15b: {  	[tilespmem:s28+$0x0] =	vst v2;
	v1 =	vld.idx.msk [tilespmem:v6+s19+$0x0], $0xffff  }
0x15c: {  	s5 =	sor.u32 s23, s0;
	v2 =	vld.idx.msk [tilespmem:v7+s19+$0x0], $0xffff;
	v6 =	vor.u32 $0x100, v5  }
0x15d: {  	s1 =	sor.u32 s24, s0;
	v7 =	vor.u32 $0x100, v0;
	[tilespmem:s5+$0x0] =	vst v8  }
0x15e: {  	v8 =	vld.idx.msk [tilespmem:v9+s19+$0x0], $0xffff;
	[tilespmem:s1+$0x0] =	vst v10  }
0x15f: {  	v9 =	vor.u32 $0x100, v4;
	v10 =	vld.idx.msk [tilespmem:v11+s19+$0x0], $0xffff  }
0x160: {  	v11 =	vor.u32 $0x100, v3;
	[tilespmem:s26+$0x80] =	vst v1  }
0x161: {  	[tilespmem:s28+$0x80] =	vst v2;
	v1 =	vld.idx.msk [tilespmem:v6+s19+$0x0], $0xffff  }
0x162: {  	v2 =	vld.idx.msk [tilespmem:v7+s19+$0x0], $0xffff;
	v6 =	vor.u32 $0x180, v5  }
0x163: {  	v7 =	vor.u32 $0x180, v0;
	[tilespmem:s5+$0x80] =	vst v8  }
0x164: {  	v8 =	vld.idx.msk [tilespmem:v9+s19+$0x0], $0xffff;
	[tilespmem:s1+$0x80] =	vst v10  }
0x165: {  	s0 =	simm.s32 $0x40;
	v9 =	vor.u32 $0x180, v4;
	v10 =	vld.idx.msk [tilespmem:v11+s19+$0x0], $0xffff  }
0x166: {  	s7 =	sand.u32 $0x40, s0;
	v11 =	vld [tilespmem:s0+$0x0];
	[tilespmem:s26+$0x100] =	vst v1  }
0x167: {  	s11 =	sand.u32 $0xF80, s0;
	s10 =	sor.u32 $0x30, s7;
	[tilespmem:s28+$0x100] =	vst v2;
	v1 =	vld.idx.msk [tilespmem:v6+s19+$0x0], $0xffff  }
0x168: {  	s15 =	sor.u32 s10, s11;
	v2 =	vor.u32 $0x180, v3;
	v6 =	vld.idx.msk [tilespmem:v7+s19+$0x0], $0xffff  }
0x169: {  	s18 =	sor.u32 $0x10, s7;
	v7 =	vor.u32 $0x200, v5;
	[tilespmem:s5+$0x100] =	vst v8;
	v8 =	vld [tilespmem:s15+$0x0]  }
0x16a: {  	s21 =	sor.u32 $0x20, s7;
	s12 =	sor.u32 s18, s11;
	v9 =	vld.idx.msk [tilespmem:v9+s19+$0x0], $0xffff  }
0x16b: {  	s11 =	sor.u32 s21, s11;
	v13 =	vld [tilespmem:s12+$0x0];
	v12 =	vor.u32 $0x200, v4;
	v14 =	vshll.u32 v11, $0x3  }
0x16c: {  	v15 =	vld [tilespmem:s11+$0x0];
	[tilespmem:s1+$0x100] =	vst v10;
	v10 =	vor.u32 $0x200, v0;
	v11 =	vand.u32 $0x7F, v11;
	v14 =	vand.u32 $0xFFFFFC00, v14  }
0x16d: {  	s9 =	simm.s32 $0x1;
	p0 =	por $0x0, $0x0;
	v16 =	vld.idx.msk [tilespmem:v2+s19+$0x0], $0xffff;
	[tilespmem:s26+$0x180] =	vst v1;
	v1 =	vor.u32 v11, v14  }
0x16e: {  	s9 =	simm.s32 @!p0 $0x0;
	v11 =	vor.u32 $0x200, v3;
	v7 =	vld.idx.msk [tilespmem:v7+s19+$0x0], $0xffff;
	v2 =	vshll.u32 v8, $0x3  }
0x16f: {  	s22 =	sshll.u32 s9, $0x6;
	v8 =	vand.u32 $0x7F, v8;
	[tilespmem:s5+$0x180] =	vst v9;
	v2 =	vand.u32 $0xFFFFFC00, v2;
	v9 =	vor.u32 $0x280, v5  }
0x170: {  	s3 =	sadd.s32 $0x0, s22;
	v14 =	vor.u32 $0x280, v4;
	[tilespmem:s28+$0x180] =	vst v6;
	v6 =	vld.idx.msk [tilespmem:v12+s19+$0x0], $0xffff;
	v12 =	vshll.u32 v13, $0x3;
	v2 =	vor.u32 v8, v2  }
0x171: {  	s5 =	sadd.s32 $0x30, s3;
	v8 =	vld.idx.msk [tilespmem:v10+s19+$0x0], $0xffff;
	v10 =	vshll.u32 v15, $0x3;
	v13 =	vand.u32 $0x7F, v13;
	v12 =	vand.u32 $0xFFFFFC00, v12  }
0x172: {  	s23 =	sor.u32 $0x200, s5;
	v10 =	vand.u32 $0xFFFFFC00, v10;
	[tilespmem:s1+$0x180] =	vst v16;
	v17 =	vld.idx.msk [tilespmem:v1+s19+$0x0], $0xffff;
	v21 =	vor.u32 v13, v12;
	v12 =	vand.u32 $0x7F, v15  }
0x173: {  	s9 =	sadd.s32 $0x10, s3;
	v11 =	vld.idx.msk [tilespmem:v11+s19+$0x0], $0xffff;
	v10 =	vor.u32 v12, v10;
	[tilespmem:s23+$0x18380] =	vst v7  }
0x174: {  	s24 =	sor.u32 $0x200, s9;
	v7 =	vor.u32 $0x280, v0;
	v9 =	vld.idx.msk [tilespmem:v9+s19+$0x0], $0xffff  }
0x175: {  	s2 =	simm.s32 $0x200;
	s25 =	sor.u32 $0x200, s3;
	v12 =	vor.u32 $0x280, v3;
	v13 =	vld.idx.msk [tilespmem:v2+s19+$0x0], $0xffff;
	[tilespmem:s24+$0x18380] =	vst v6  }
0x176: {  	s11 =	sadd.s32 $0x20, s3;
	s28 =	sand.u32 $0x7C00, s2;
	[tilespmem:s25+$0x18380] =	vst v8;
	v8 =	vor.u32 $0x80, v1;
	v6 =	vld.idx.msk [tilespmem:v14+s19+$0x0], $0xffff  }
0x177: {  	s26 =	sor.u32 $0x200, s11;
	s12 =	sor.u32 $0x18380, s28;
	v14 =	vor.u32 $0x300, v5;
	v15 =	vld.idx.msk [tilespmem:v21+s19+$0x0], $0xffff  }
0x178: {  	v16 =	vor.u32 $0x80, v2;
	s25 =	sor.u32 s7, s12;
	[tilespmem:s26+$0x18380] =	vst v11;
	v18 =	vld.idx.msk [tilespmem:v10+s19+$0x0], $0xffff  }
0x179: {  	s14 =	sor.u32 $0x280, s5;
	v19 =	vor.u32 $0x80, v21;
	[tilespmem:s25+$0x0] =	vst v17;
	v22 =	vld.idx.msk [tilespmem:v7+s19+$0x0], $0xffff  }
0x17a: {  	s20 =	sor.u32 s10, s12;
	v7 =	vor.u32 $0x80, v10;
	v11 =	vld.idx.msk [tilespmem:v12+s19+$0x0], $0xffff;
	[tilespmem:s14+$0x18380] =	vst v9  }
0x17b: {  	s15 =	sor.u32 $0x280, s9;
	v9 =	vor.u32 $0x300, v4;
	[tilespmem:s20+$0x0] =	vst v13;
	v8 =	vld.idx.msk [tilespmem:v8+s19+$0x0], $0xffff  }
0x17c: {  	s22 =	sor.u32 s18, s12;
	v13 =	vor.u32 $0x300, v3;
	v12 =	vld.idx.msk [tilespmem:v14+s19+$0x0], $0xffff;
	[tilespmem:s15+$0x18380] =	vst v6  }
0x17d: {  	s7 =	sor.u32 s21, s12;
	v5 =	vor.u32 $0x380, v5;
	v16 =	vld.idx.msk [tilespmem:v16+s19+$0x0], $0xffff;
	[tilespmem:s22+$0x0] =	vst v15  }
0x17e: {  	s18 =	sor.u32 $0x280, s11;
	v17 =	vor.u32 $0x100, v2;
	v15 =	vld.idx.msk [tilespmem:v19+s19+$0x0], $0xffff;
	[tilespmem:s7+$0x0] =	vst v18  }
0x17f: {  	s23 =	sor.u32 $0x280, s3;
	v18 =	vor.u32 $0x100, v1;
	[tilespmem:s18+$0x18380] =	vst v11;
	v7 =	vld.idx.msk [tilespmem:v7+s19+$0x0], $0xffff  }
0x180: {  	s21 =	sor.u32 $0x300, s5;
	v6 =	vor.u32 $0x100, v21;
	[tilespmem:s23+$0x18380] =	vst v22;
	v23 =	vld.idx.msk [tilespmem:v9+s19+$0x0], $0xffff  }
0x181: {  	v20 =	vor.u32 $0x100, v10;
	v14 =	vld.idx.msk [tilespmem:v13+s19+$0x0], $0xffff;
	[tilespmem:s21+$0x18380] =	vst v12  }
0x182: {  	[tilespmem:s20+$0x80] =	vst v16;
	v16 =	vor.u32 $0x300, v0;
	v24 =	vld.idx.msk [tilespmem:v5+s19+$0x0], $0xffff  }
0x183: {  	v25 =	vor.u32 $0x380, v4;
	[tilespmem:s25+$0x80] =	vst v8;
	v19 =	vld.idx.msk [tilespmem:v17+s19+$0x0], $0xffff  }
0x184: {  	v4 =	vor.u32 $0x380, v21;
	v17 =	vld.idx.msk [tilespmem:v18+s19+$0x0], $0xffff;
	[tilespmem:s22+$0x80] =	vst v15  }
0x185: {  	v11 =	vor.u32 $0x200, v21;
	v22 =	vor.u32 $0x180, v2;
	v13 =	vor.u32 $0x180, v21;
	v18 =	vld.idx.msk [tilespmem:v6+s19+$0x0], $0xffff;
	[tilespmem:s7+$0x80] =	vst v7  }
0x186: {  	s13 =	simm.s32 $0x4;
	s29 =	sor.u32 $0x300, s11;
	s24 =	sor.u32 $0x300, s9;
	v8 =	vor.u32 $0x280, v21;
	v6 =	vor.u32 $0x300, v21;
	v21 =	vor.u32 $0x180, v1;
	v20 =	vld.idx.msk [tilespmem:v20+s19+$0x0], $0xffff  }
0x187: {  	s8 =	sor.u32 $0x380, s11;
	s28 =	sor.u32 $0x380, s5;
	s26 =	sor.u32 $0x300, s3;
	v3 =	vor.u32 $0x380, v3;
	v9 =	vor.u32 $0x200, v10;
	v12 =	vor.u32 $0x180, v10;
	[tilespmem:s24+$0x18380] =	vst v23;
	v15 =	vld.idx.msk [tilespmem:v16+s19+$0x0], $0xffff  }
0x188: {  	s3 =	sor.u32 $0x380, s3;
	s14 =	simm.s32 $0x80;
	s15 =	sor.u32 $0x380, s9;
	v5 =	vor.u32 $0x300, v10;
	v7 =	vor.u32 $0x280, v10;
	v10 =	vor.u32 $0x380, v10;
	v16 =	vld.idx.msk [tilespmem:v25+s19+$0x0], $0xffff;
	[tilespmem:s28+$0x18380] =	vst v24  }
.LBB2_7:
0x189: {  	v23 =	vld [tilespmem:s14+$0x0];
	[tilespmem:s20+$0x100] =	vst v19;
	s0 =	sadd.s32 $0x40, s0  }
0x18a: {  	s13 =	sadd.s32 $0x4, s13;
	s24 =	sand.u32 $0x40, s0;
	[tilespmem:s25+$0x100] =	vst v17;
	v17 =	vld.idx.msk [tilespmem:v22+s19+$0x0], $0xffff  }
0x18b: {  	s1 =	sand.u32 $0xF80, s0;
	p1 =	slt.u32 s13, $0xB0;
	s5 =	sor.u32 $0x30, s24;
	v19 =	vld.idx.msk [tilespmem:v21+s19+$0x0], $0xffff;
	[tilespmem:s22+$0x100] =	vst v18  }
0x18c: {  	s10 =	sor.u32 $0x10, s24;
	s9 =	sor.u32 $0x20, s24;
	v18 =	vor.u32 $0x200, v2;
	s11 =	sor.u32 s5, s1;
	v13 =	vld.idx.msk [tilespmem:v13+s19+$0x0], $0xffff;
	[tilespmem:s7+$0x100] =	vst v20  }
0x18d: {  	v21 =	vor.u32 $0x200, v1;
	s12 =	sor.u32 s10, s1;
	s1 =	sor.u32 s9, s1;
	v20 =	vld [tilespmem:s11+$0x0];
	[tilespmem:s29+$0x18380] =	vst v14  }
0x18e: {  	v14 =	vld [tilespmem:s12+$0x0];
	[tilespmem:s26+$0x18380] =	vst v15  }
0x18f: {  	v15 =	vshll.u32 v23, $0x3;
	v22 =	vld [tilespmem:s1+$0x0];
	[tilespmem:s15+$0x18380] =	vst v16  }
0x190: {  	v16 =	vand.u32 $0x7F, v23;
	v15 =	vand.u32 $0xFFFFFC00, v15;
	v12 =	vld.idx.msk [tilespmem:v12+s19+$0x0], $0xffff;
	[tilespmem:s20+$0x180] =	vst v17;
	v17 =	vor.u32 $0x380, v0;
	v0 =	vmovc v1  }
0x191: {  	p0 =	por !p0, !p0;
	s1 =	simm.s32 $0x1;
	v1 =	vor.u32 v16, v15;
	[tilespmem:s25+$0x180] =	vst v19;
	v15 =	vld.idx.msk [tilespmem:v18+s19+$0x0], $0xffff  }
0x192: {  	s1 =	simm.s32 @!p0 $0x0;
	v16 =	vshll.u32 v20, $0x3;
	v18 =	vld.idx.msk [tilespmem:v21+s19+$0x0], $0xffff;
	[tilespmem:s22+$0x180] =	vst v13  }
0x193: {  	s1 =	sshll.u32 s1, $0x6;
	v13 =	vand.u32 $0x7F, v20;
	v16 =	vand.u32 $0xFFFFFC00, v16;
	v19 =	vld.idx.msk [tilespmem:v11+s19+$0x0], $0xffff;
	v11 =	vor.u32 $0x280, v2  }
0x194: {  	s18 =	sadd.s32 s1, s2;
	v20 =	vshll.u32 v14, $0x3;
	v21 =	vshll.u32 v22, $0x3;
	v16 =	vor.u32 v13, v16;
	v23 =	vld.idx.msk [tilespmem:v3+s19+$0x0], $0xffff;
	v3 =	vmovc v10  }
0x195: {  	s15 =	sadd.s32 $0x10, s18;
	s20 =	sadd.s32 $0x20, s18;
	s11 =	sadd.s32 $0x30, s18;
	v10 =	vand.u32 $0x7F, v14;
	v13 =	vand.u32 $0xFFFFFC00, v20;
	v14 =	vand.u32 $0xFFFFFC00, v21;
	v17 =	vld.idx.msk [tilespmem:v17+s19+$0x0], $0xffff  }
0x196: {  	s22 =	sor.u32 $0x200, s15;
	s1 =	sor.u32 $0x200, s11;
	v10 =	vor.u32 v10, v13;
	v13 =	vand.u32 $0x7F, v22;
	v21 =	vor.u32 $0x280, v0;
	v20 =	vld.idx.msk [tilespmem:v1+s19+$0x0], $0xffff;
	[tilespmem:s7+$0x180] =	vst v12;
	s7 =	sor.u32 $0x200, s20  }
0x197: {  	s12 =	sor.u32 $0x200, s18;
	s23 =	sor.u32 $0x280, s15;
	s21 =	sor.u32 $0x280, s20;
	v22 =	vor.u32 $0x80, v10;
	v24 =	vor.u32 $0x100, v10;
	v14 =	vor.u32 v13, v14;
	v25 =	vld.idx.msk [tilespmem:v9+s19+$0x0], $0xffff;
	[tilespmem:s1+$0x18380] =	vst v15  }
0x198: {  	s29 =	sor.u32 $0x300, s20;
	v13 =	vor.u32 $0x180, v10;
	v15 =	vor.u32 $0x80, v14;
	v26 =	vor.u32 $0x100, v14;
	s1 =	sor.u32 $0x280, s18;
	[tilespmem:s12+$0x18380] =	vst v18;
	s12 =	sor.u32 $0x300, s15;
	v18 =	vld.idx.msk [tilespmem:v11+s19+$0x0], $0xffff  }
0x199: {  	s26 =	sor.u32 $0x300, s18;
	s20 =	sor.u32 $0x380, s20;
	v12 =	vor.u32 $0x180, v14;
	v9 =	vor.u32 $0x200, v14;
	v11 =	vor.u32 $0x200, v10;
	s15 =	sor.u32 $0x380, s15;
	v27 =	vld.idx.msk [tilespmem:v16+s19+$0x0], $0xffff;
	[tilespmem:s22+$0x18380] =	vst v19  }
0x19a: {  	v29 =	vor.u32 $0x300, v2;
	s18 =	sor.u32 $0x380, s18;
	v19 =	vor.u32 $0x280, v14;
	v28 =	vld.idx.msk [tilespmem:v8+s19+$0x0], $0xffff;
	v8 =	vor.u32 $0x280, v10;
	[tilespmem:s8+$0x18380] =	vst v23;
	s8 =	smov.u32 s20  }
0x19b: {  	s2 =	sadd.s32 $0x200, s2;
	v32 =	vor.u32 $0x80, v16;
	v30 =	vor.u32 $0x300, v10;
	v31 =	vor.u32 $0x300, v14;
	v23 =	vld.idx.msk [tilespmem:v10+s19+$0x0], $0xffff;
	[tilespmem:s3+$0x18380] =	vst v17;
	s3 =	smov.u32 s18  }
0x19c: {  	v33 =	vor.u32 $0x380, v10;
	s18 =	sand.u32 $0x7C00, s2;
	v17 =	vor.u32 $0x80, v1;
	v10 =	vor.u32 $0x380, v14;
	v34 =	vld.idx.msk [tilespmem:v14+s19+$0x0], $0xffff  }
0x19d: {  	s18 =	sor.u32 $0x18380, s18;
	v35 =	vld.idx.msk [tilespmem:v21+s19+$0x0], $0xffff;
	[tilespmem:s7+$0x18380] =	vst v25;
	s7 =	sor.u32 $0x280, s11  }
0x19e: {  	s25 =	sor.u32 s24, s18;
	s22 =	sor.u32 s10, s18;
	s20 =	sor.u32 s5, s18;
	v14 =	vld.idx.msk [tilespmem:v7+s19+$0x0], $0xffff;
	[tilespmem:s7+$0x18380] =	vst v18;
	v7 =	vmov v19  }
0x19f: {  	s7 =	sor.u32 s9, s18;
	[tilespmem:s20+$0x0] =	vst v27;
	v18 =	vld.idx.msk [tilespmem:v29+s19+$0x0], $0xffff  }
0x1a0: {  	[tilespmem:s25+$0x0] =	vst v20;
	v19 =	vld.idx.msk [tilespmem:v32+s19+$0x0], $0xffff  }
0x1a1: {  	v20 =	vor.u32 $0x380, v2;
	v2 =	vmov v16;
	v17 =	vld.idx.msk [tilespmem:v17+s19+$0x0], $0xffff;
	[tilespmem:s22+$0x0] =	vst v23  }
0x1a2: {  	v21 =	vor.u32 $0x100, v2;
	v16 =	vld.idx.msk [tilespmem:v22+s19+$0x0], $0xffff;
	[tilespmem:s7+$0x0] =	vst v34  }
0x1a3: {  	v22 =	vor.u32 $0x100, v1;
	v15 =	vld.idx.msk [tilespmem:v15+s19+$0x0], $0xffff;
	[tilespmem:s23+$0x18380] =	vst v28  }
0x1a4: {  	s5 =	sor.u32 $0x300, s11;
	v23 =	vld.idx.msk [tilespmem:v6+s19+$0x0], $0xffff;
	[tilespmem:s21+$0x18380] =	vst v14;
	v6 =	vmov v30  }
0x1a5: {  	v14 =	vld.idx.msk [tilespmem:v5+s19+$0x0], $0xffff;
	[tilespmem:s5+$0x18380] =	vst v18;
	v5 =	vmov v31  }
0x1a6: {  	v25 =	vor.u32 $0x300, v0;
	[tilespmem:s20+$0x80] =	vst v19;
	v27 =	vld.idx.msk [tilespmem:v20+s19+$0x0], $0xffff  }
0x1a7: {  	[tilespmem:s25+$0x80] =	vst v17;
	v19 =	vld.idx.msk [tilespmem:v21+s19+$0x0], $0xffff  }
.Ltmp2:
0x1a8: {  	v17 =	vld.idx.msk [tilespmem:v22+s19+$0x0], $0xffff;
	[tilespmem:s22+$0x80] =	vst v16;
	(pc) =	sbr.rel @p1 .LBB2_7-.Ltmp2, $4  }
0x1a9: {  	v22 =	vor.u32 $0x180, v2;
	v18 =	vld.idx.msk [tilespmem:v24+s19+$0x0], $0xffff;
	[tilespmem:s7+$0x80] =	vst v15  }
0x1aa: {  	v21 =	vor.u32 $0x180, v1;
	v20 =	vld.idx.msk [tilespmem:v26+s19+$0x0], $0xffff;
	[tilespmem:s1+$0x18380] =	vst v35  }
0x1ab: {  	s1 =	sor.u32 $0x380, s11;
	v15 =	vld.idx.msk [tilespmem:v25+s19+$0x0], $0xffff;
	[tilespmem:s12+$0x18380] =	vst v23  }
0x1ac: {  	s14 =	sadd.s32 $0x40, s14;
	v16 =	vld.idx.msk [tilespmem:v4+s19+$0x0], $0xffff;
	[tilespmem:s1+$0x18380] =	vst v27;
	v4 =	vmov v33  }
0x1ad: {  	_ =	sdelay $0x2  }
0x1ae: {  	[tilespmem:s20+$0x100] =	vst v19  }
0x1af: {  	[tilespmem:s25+$0x100] =	vst v17;
	v19 =	vld.idx.msk [tilespmem:v22+s19+$0x0], $0xffff  }
0x1b0: {  	v53 =	vor.u32 $0x200, v2;
	[tilespmem:s22+$0x100] =	vst v18;
	v17 =	vld.idx.msk [tilespmem:v21+s19+$0x0], $0xffff  }
0x1b1: {  	v54 =	vor.u32 $0x200, v1;
	v13 =	vld.idx.msk [tilespmem:v13+s19+$0x0], $0xffff;
	[tilespmem:s7+$0x100] =	vst v20  }
0x1b2: {  	v12 =	vld.idx.msk [tilespmem:v12+s19+$0x0], $0xffff;
	_ =	sdelay $0x1  }
0x1b3: {  	p0 =	por !p0, !p0;
	s0 =	simm.s32 $0x1;
	[tilespmem:s20+$0x180] =	vst v19  }
0x1b4: {  	s0 =	simm.s32 @!p0 $0x0;
	[tilespmem:s25+$0x180] =	vst v17;
	v18 =	vld.idx.msk [tilespmem:v53+s19+$0x0], $0xffff  }
0x1b5: {  	v55 =	vor.u32 $0x280, v2;
	s0 =	sshll.u32 s0, $0x6;
	[tilespmem:s22+$0x180] =	vst v13;
	v56 =	vld.idx.msk [tilespmem:v54+s19+$0x0], $0xffff  }
0x1b6: {  	v57 =	vor.u32 $0x280, v1;
	s0 =	sadd.s32 s0, s2;
	v11 =	vld.idx.msk [tilespmem:v11+s19+$0x0], $0xffff;
	[tilespmem:s7+$0x180] =	vst v12  }
0x1b7: {  	s1 =	sadd.s32 $0x30, s0;
	v9 =	vld.idx.msk [tilespmem:v9+s19+$0x0], $0xffff  }
0x1b8: {  	s5 =	sor.u32 $0x200, s1  }
0x1b9: {  	s2 =	sadd.s32 $0x10, s0;
	s13 =	sor.u32 $0x200, s0;
	[tilespmem:s5+$0x18380] =	vst v18  }
0x1ba: {  	s11 =	sadd.s32 $0x20, s0;
	s9 =	sor.u32 $0x200, s2;
	[tilespmem:s13+$0x18380] =	vst v56;
	v13 =	vld.idx.msk [tilespmem:v55+s19+$0x0], $0xffff  }
0x1bb: {  	v58 =	vor.u32 $0x300, v2;
	s12 =	sor.u32 $0x200, s11;
	[tilespmem:s9+$0x18380] =	vst v11;
	v59 =	vld.idx.msk [tilespmem:v57+s19+$0x0], $0xffff  }
0x1bc: {  	v60 =	vor.u32 $0x300, v1;
	v8 =	vld.idx.msk [tilespmem:v8+s19+$0x0], $0xffff;
	[tilespmem:s12+$0x18380] =	vst v9  }
0x1bd: {  	v7 =	vld.idx.msk [tilespmem:v7+s19+$0x0], $0xffff  }
0x1be: {  	[tilespmem:s29+$0x18380] =	vst v14;
	s14 =	sor.u32 $0x280, s1  }
0x1bf: {  	s21 =	sor.u32 $0x280, s0;
	[tilespmem:s14+$0x18380] =	vst v13  }
0x1c0: {  	v0 =	vor.u32 $0x380, v0;
	s18 =	sor.u32 $0x280, s2;
	[tilespmem:s21+$0x18380] =	vst v59;
	v11 =	vld.idx.msk [tilespmem:v58+s19+$0x0], $0xffff  }
0x1c1: {  	v61 =	vor.u32 $0x380, v2;
	s20 =	sor.u32 $0x280, s11;
	[tilespmem:s18+$0x18380] =	vst v8;
	v62 =	vld.idx.msk [tilespmem:v60+s19+$0x0], $0xffff  }
0x1c2: {  	v63 =	vor.u32 $0x380, v1;
	v6 =	vld.idx.msk [tilespmem:v6+s19+$0x0], $0xffff;
	[tilespmem:s20+$0x18380] =	vst v7  }
0x1c3: {  	[tilespmem:s26+$0x18380] =	vst v15;
	v5 =	vld.idx.msk [tilespmem:v5+s19+$0x0], $0xffff  }
0x1c4: {  	v3 =	vld.idx.msk [tilespmem:v3+s19+$0x0], $0xffff;
	[tilespmem:s15+$0x18380] =	vst v16;
	s22 =	sor.u32 $0x300, s1  }
0x1c5: {  	v0 =	vld.idx.msk [tilespmem:v0+s19+$0x0], $0xffff;
	s25 =	sor.u32 $0x300, s0;
	[tilespmem:s22+$0x18380] =	vst v11  }
0x1c6: {  	s23 =	sor.u32 $0x300, s2;
	[tilespmem:s25+$0x18380] =	vst v62;
	v2 =	vld.idx.msk [tilespmem:v61+s19+$0x0], $0xffff  }
0x1c7: {  	s24 =	sor.u32 $0x300, s11;
	[tilespmem:s23+$0x18380] =	vst v6;
	v1 =	vld.idx.msk [tilespmem:v63+s19+$0x0], $0xffff  }
0x1c8: {  	v4 =	vld.idx.msk [tilespmem:v4+s19+$0x0], $0xffff;
	[tilespmem:s24+$0x18380] =	vst v5  }
0x1c9: {  	s30 =	sadd.s32 $0x1, s30;
	[tilespmem:s8+$0x18380] =	vst v3;
	v5 =	vld.idx.msk [tilespmem:v10+s19+$0x0], $0xffff  }
0x1ca: {  	p0 =	sne.s32 s30, $0x15;
	s1 =	sor.u32 $0x380, s1;
	[tilespmem:s3+$0x18380] =	vst v0  }
.Ltmp3:
0x1cb: {  	s0 =	sor.u32 $0x380, s0;
	[tilespmem:s1+$0x18380] =	vst v2;
	(pc) =	sbr.rel @p0 .LBB2_2-.Ltmp3, $4  }
0x1cc: {  	s28 =	smul.u32 $0xB80, s31;
	s2 =	sor.u32 $0x380, s2;
	[tilespmem:s0+$0x18380] =	vst v1  }
0x1cd: {  	s26 =	sor.u32 $0x380, s11;
	[tilespmem:s2+$0x18380] =	vst v4  }
0x1ce: {  	s31 =	simm.s32 $0x18380;
	s29 =	sadd.s32 s6, s28;
	[tilespmem:s26+$0x18380] =	vst v5  }
0x1cf: {  	[hbm4b:s29+s4] =	stream.linear.scatter [tilespmem:s31], [sflag:$0x6], $0x5C00, $0x38;
	[tilespmem:$0x1DF80] =	vst v63  }
0x1d0: {  	s0 =	simm.s32 $0x1  }
0x1d1: {  	_ =	swait.ge [sflag:s0], $0x4000  }
0x1d2: {  	[sflag:s0] =	ssyncset.done $0x0  }
0x1d3: {  	s14 =	simm.s32 $0x0;
	s28 =	simm.s32 $0x4;
	[sflag:s0] =	ssyncadd.s32 $0xFFFFC000  }
0x1d4: {  	s1 =	sand.u32 $0x40, s14;
	_ =	swait.ge [sflag:s28], $0x5C00  }
0x1d5: {  	s2 =	sand.u32 $0xF80, s14;
	s3 =	sor.u32 $0x30, s1;
	[sflag:s28] =	ssyncset.done $0x0  }
0x1d6: {  	s5 =	sor.u32 s3, s2;
	[sflag:s28] =	ssyncadd.s32 $0xFFFFA400  }
0x1d7: {  	v0 =	vld [tilespmem:s5+$0x0]  }
0x1d8: {  	s15 =	sor.u32 $0x10, s1;
	v1 =	vld [tilespmem:s14+$0x0]  }
0x1d9: {  	s7 =	sor.u32 $0x20, s1;
	s8 =	sor.u32 s15, s2  }
0x1da: {  	s2 =	sor.u32 s7, s2;
	v2 =	vld [tilespmem:s8+$0x0]  }
0x1db: {  	v3 =	vld [tilespmem:s2+$0x0]  }
0x1dc: {  	v4 =	vshll.u32 v0, $0x3  }
0x1dd: {  	v5 =	vshll.u32 v1, $0x3;
	v0 =	vand.u32 $0x7F, v0;
	v4 =	vand.u32 $0xFFFFFC00, v4  }
0x1de: {  	v1 =	vand.u32 $0x7F, v1;
	v6 =	vand.u32 $0xFFFFFC00, v5;
	v5 =	vor.u32 v0, v4  }
0x1df: {  	v0 =	vor.u32 v1, v6;
	v1 =	vshll.u32 v2, $0x3  }
0x1e0: {  	v4 =	vshll.u32 v3, $0x3;
	v2 =	vand.u32 $0x7F, v2;
	v1 =	vand.u32 $0xFFFFFC00, v1  }
0x1e1: {  	v6 =	vand.u32 $0xFFFFFC00, v4;
	v4 =	vor.u32 v2, v1;
	v1 =	vand.u32 $0x7F, v3  }
0x1e2: {  	v3 =	vor.u32 v1, v6  }
0x1e3: {  	v1 =	vld.idx.msk [tilespmem:v5+s16+$0x0], $0xffff  }
0x1e4: {  	v6 =	vor.u32 $0x80, v5;
	v2 =	vld.idx.msk [tilespmem:v0+s16+$0x0], $0xffff  }
0x1e5: {  	s0 =	sand.u32 $0x7C00, s14;
	v7 =	vor.u32 $0x80, v0  }
0x1e6: {  	s0 =	sadd.s32 $0xCB80, s0;
	v8 =	vld.idx.msk [tilespmem:v4+s16+$0x0], $0xffff  }
0x1e7: {  	s9 =	sor.u32 s3, s0;
	v9 =	vor.u32 $0x80, v4;
	v10 =	vld.idx.msk [tilespmem:v3+s16+$0x0], $0xffff  }
0x1e8: {  	s18 =	sor.u32 s1, s0;
	v11 =	vor.u32 $0x80, v3;
	[tilespmem:s9+$0x0] =	vst v1  }
0x1e9: {  	[tilespmem:s18+$0x0] =	vst v2;
	v1 =	vld.idx.msk [tilespmem:v6+s16+$0x0], $0xffff  }
0x1ea: {  	s5 =	sor.u32 s15, s0;
	v2 =	vld.idx.msk [tilespmem:v7+s16+$0x0], $0xffff;
	v6 =	vor.u32 $0x100, v5  }
0x1eb: {  	s20 =	sor.u32 s7, s0;
	v7 =	vor.u32 $0x100, v0;
	[tilespmem:s5+$0x0] =	vst v8  }
0x1ec: {  	v8 =	vld.idx.msk [tilespmem:v9+s16+$0x0], $0xffff;
	[tilespmem:s20+$0x0] =	vst v10  }
0x1ed: {  	v9 =	vor.u32 $0x100, v4;
	v10 =	vld.idx.msk [tilespmem:v11+s16+$0x0], $0xffff  }
0x1ee: {  	v11 =	vor.u32 $0x100, v3;
	[tilespmem:s9+$0x80] =	vst v1  }
0x1ef: {  	[tilespmem:s18+$0x80] =	vst v2;
	v1 =	vld.idx.msk [tilespmem:v6+s16+$0x0], $0xffff  }
0x1f0: {  	v2 =	vld.idx.msk [tilespmem:v7+s16+$0x0], $0xffff;
	v6 =	vor.u32 $0x180, v5  }
0x1f1: {  	v7 =	vor.u32 $0x180, v0;
	[tilespmem:s5+$0x80] =	vst v8  }
0x1f2: {  	v8 =	vld.idx.msk [tilespmem:v9+s16+$0x0], $0xffff;
	[tilespmem:s20+$0x80] =	vst v10  }
0x1f3: {  	s0 =	simm.s32 $0x40;
	v9 =	vor.u32 $0x180, v4;
	v10 =	vld.idx.msk [tilespmem:v11+s16+$0x0], $0xffff  }
0x1f4: {  	s21 =	sand.u32 $0x40, s0;
	v11 =	vld [tilespmem:s0+$0x0];
	[tilespmem:s9+$0x100] =	vst v1  }
0x1f5: {  	s11 =	sand.u32 $0xF80, s0;
	s10 =	sor.u32 $0x30, s21;
	[tilespmem:s18+$0x100] =	vst v2;
	v1 =	vld.idx.msk [tilespmem:v6+s16+$0x0], $0xffff  }
0x1f6: {  	s22 =	sor.u32 s10, s11;
	v2 =	vor.u32 $0x180, v3;
	v6 =	vld.idx.msk [tilespmem:v7+s16+$0x0], $0xffff  }
0x1f7: {  	s23 =	sor.u32 $0x10, s21;
	v7 =	vor.u32 $0x200, v5;
	[tilespmem:s5+$0x100] =	vst v8;
	v8 =	vld [tilespmem:s22+$0x0]  }
0x1f8: {  	s24 =	sor.u32 $0x20, s21;
	s12 =	sor.u32 s23, s11;
	v9 =	vld.idx.msk [tilespmem:v9+s16+$0x0], $0xffff  }
0x1f9: {  	s11 =	sor.u32 s24, s11;
	v13 =	vld [tilespmem:s12+$0x0];
	v12 =	vor.u32 $0x200, v4;
	v14 =	vshll.u32 v11, $0x3  }
0x1fa: {  	v15 =	vld [tilespmem:s11+$0x0];
	[tilespmem:s20+$0x100] =	vst v10;
	v10 =	vor.u32 $0x200, v0;
	v11 =	vand.u32 $0x7F, v11;
	v14 =	vand.u32 $0xFFFFFC00, v14  }
0x1fb: {  	p0 =	por $0x0, $0x0;
	v16 =	vld.idx.msk [tilespmem:v2+s16+$0x0], $0xffff;
	[tilespmem:s9+$0x180] =	vst v1;
	v1 =	vor.u32 v11, v14;
	s9 =	simm.s32 $0x1  }
0x1fc: {  	v11 =	vor.u32 $0x200, v3;
	v7 =	vld.idx.msk [tilespmem:v7+s16+$0x0], $0xffff;
	v2 =	vshll.u32 v8, $0x3;
	s9 =	simm.s32 @!p0 $0x0  }
0x1fd: {  	v8 =	vand.u32 $0x7F, v8;
	[tilespmem:s5+$0x180] =	vst v9;
	v2 =	vand.u32 $0xFFFFFC00, v2;
	s26 =	sshll.u32 s9, $0x6;
	v9 =	vor.u32 $0x280, v5  }
0x1fe: {  	v14 =	vor.u32 $0x280, v4;
	[tilespmem:s18+$0x180] =	vst v6;
	v6 =	vld.idx.msk [tilespmem:v12+s16+$0x0], $0xffff;
	v12 =	vshll.u32 v13, $0x3;
	v2 =	vor.u32 v8, v2;
	s3 =	sadd.s32 $0x0, s26  }
0x1ff: {  	v8 =	vld.idx.msk [tilespmem:v10+s16+$0x0], $0xffff;
	v10 =	vshll.u32 v15, $0x3;
	v13 =	vand.u32 $0x7F, v13;
	v12 =	vand.u32 $0xFFFFFC00, v12;
	s5 =	sadd.s32 $0x30, s3  }
0x200: {  	v10 =	vand.u32 $0xFFFFFC00, v10;
	[tilespmem:s20+$0x180] =	vst v16;
	v17 =	vld.idx.msk [tilespmem:v1+s16+$0x0], $0xffff;
	v21 =	vor.u32 v13, v12;
	v12 =	vand.u32 $0x7F, v15;
	s30 =	sor.u32 $0x200, s5  }
0x201: {  	s31 =	sadd.s32 $0x10, s3;
	v11 =	vld.idx.msk [tilespmem:v11+s16+$0x0], $0xffff;
	v10 =	vor.u32 v12, v10;
	[tilespmem:s30+$0xCB80] =	vst v7  }
0x202: {  	s13 =	sor.u32 $0x200, s31;
	v7 =	vor.u32 $0x280, v0;
	v9 =	vld.idx.msk [tilespmem:v9+s16+$0x0], $0xffff  }
0x203: {  	s2 =	simm.s32 $0x200;
	s14 =	sor.u32 $0x200, s3;
	v12 =	vor.u32 $0x280, v3;
	v13 =	vld.idx.msk [tilespmem:v2+s16+$0x0], $0xffff;
	[tilespmem:s13+$0xCB80] =	vst v6  }
0x204: {  	s15 =	sand.u32 $0x7C00, s2;
	s11 =	sadd.s32 $0x20, s3;
	[tilespmem:s14+$0xCB80] =	vst v8;
	v8 =	vor.u32 $0x80, v1;
	v6 =	vld.idx.msk [tilespmem:v14+s16+$0x0], $0xffff  }
0x205: {  	s12 =	sadd.s32 $0xCB80, s15;
	s13 =	sor.u32 $0x200, s11;
	v14 =	vor.u32 $0x300, v5;
	v15 =	vld.idx.msk [tilespmem:v21+s16+$0x0], $0xffff  }
0x206: {  	s25 =	sor.u32 s21, s12;
	v16 =	vor.u32 $0x80, v2;
	[tilespmem:s13+$0xCB80] =	vst v11;
	v18 =	vld.idx.msk [tilespmem:v10+s16+$0x0], $0xffff  }
0x207: {  	s18 =	sor.u32 $0x280, s5;
	v19 =	vor.u32 $0x80, v21;
	[tilespmem:s25+$0x0] =	vst v17;
	v22 =	vld.idx.msk [tilespmem:v7+s16+$0x0], $0xffff  }
0x208: {  	s20 =	sor.u32 s10, s12;
	v7 =	vor.u32 $0x80, v10;
	v11 =	vld.idx.msk [tilespmem:v12+s16+$0x0], $0xffff;
	[tilespmem:s18+$0xCB80] =	vst v9  }
0x209: {  	s21 =	sor.u32 $0x280, s31;
	v9 =	vor.u32 $0x300, v4;
	[tilespmem:s20+$0x0] =	vst v13;
	v8 =	vld.idx.msk [tilespmem:v8+s16+$0x0], $0xffff  }
0x20a: {  	s22 =	sor.u32 s23, s12;
	v13 =	vor.u32 $0x300, v3;
	v12 =	vld.idx.msk [tilespmem:v14+s16+$0x0], $0xffff;
	[tilespmem:s21+$0xCB80] =	vst v6  }
0x20b: {  	s7 =	sor.u32 s24, s12;
	v5 =	vor.u32 $0x380, v5;
	v16 =	vld.idx.msk [tilespmem:v16+s16+$0x0], $0xffff;
	[tilespmem:s22+$0x0] =	vst v15  }
0x20c: {  	s23 =	sor.u32 $0x280, s11;
	v17 =	vor.u32 $0x100, v2;
	v15 =	vld.idx.msk [tilespmem:v19+s16+$0x0], $0xffff;
	[tilespmem:s7+$0x0] =	vst v18  }
0x20d: {  	s26 =	sor.u32 $0x280, s3;
	v18 =	vor.u32 $0x100, v1;
	[tilespmem:s23+$0xCB80] =	vst v11;
	v7 =	vld.idx.msk [tilespmem:v7+s16+$0x0], $0xffff  }
0x20e: {  	s24 =	sor.u32 $0x300, s5;
	v6 =	vor.u32 $0x100, v21;
	[tilespmem:s26+$0xCB80] =	vst v22;
	v23 =	vld.idx.msk [tilespmem:v9+s16+$0x0], $0xffff  }
0x20f: {  	v20 =	vor.u32 $0x100, v10;
	v14 =	vld.idx.msk [tilespmem:v13+s16+$0x0], $0xffff;
	[tilespmem:s24+$0xCB80] =	vst v12  }
0x210: {  	[tilespmem:s20+$0x80] =	vst v16;
	v16 =	vor.u32 $0x300, v0;
	v24 =	vld.idx.msk [tilespmem:v5+s16+$0x0], $0xffff  }
0x211: {  	v25 =	vor.u32 $0x380, v4;
	[tilespmem:s25+$0x80] =	vst v8;
	v19 =	vld.idx.msk [tilespmem:v17+s16+$0x0], $0xffff  }
0x212: {  	v4 =	vor.u32 $0x380, v21;
	v17 =	vld.idx.msk [tilespmem:v18+s16+$0x0], $0xffff;
	[tilespmem:s22+$0x80] =	vst v15  }
0x213: {  	v11 =	vor.u32 $0x200, v21;
	v22 =	vor.u32 $0x180, v2;
	v13 =	vor.u32 $0x180, v21;
	v18 =	vld.idx.msk [tilespmem:v6+s16+$0x0], $0xffff;
	[tilespmem:s7+$0x80] =	vst v7  }
0x214: {  	s29 =	sor.u32 $0x300, s11;
	s15 =	sor.u32 $0x380, s31;
	s30 =	sor.u32 $0x300, s31;
	v8 =	vor.u32 $0x280, v21;
	v6 =	vor.u32 $0x300, v21;
	v21 =	vor.u32 $0x180, v1;
	v20 =	vld.idx.msk [tilespmem:v20+s16+$0x0], $0xffff  }
0x215: {  	s8 =	sor.u32 $0x380, s11;
	s31 =	sor.u32 $0x380, s5;
	s14 =	simm.s32 $0x80;
	v3 =	vor.u32 $0x380, v3;
	v9 =	vor.u32 $0x200, v10;
	v12 =	vor.u32 $0x180, v10;
	[tilespmem:s30+$0xCB80] =	vst v23;
	v15 =	vld.idx.msk [tilespmem:v16+s16+$0x0], $0xffff  }
0x216: {  	s13 =	simm.s32 $0x4;
	s26 =	sor.u32 $0x300, s3;
	s3 =	sor.u32 $0x380, s3;
	v5 =	vor.u32 $0x300, v10;
	v7 =	vor.u32 $0x280, v10;
	v10 =	vor.u32 $0x380, v10;
	v16 =	vld.idx.msk [tilespmem:v25+s16+$0x0], $0xffff;
	[tilespmem:s31+$0xCB80] =	vst v24  }
.LBB2_10:
0x217: {  	v23 =	vld [tilespmem:s14+$0x0];
	[tilespmem:s20+$0x100] =	vst v19;
	s0 =	sadd.s32 $0x40, s0  }
0x218: {  	s13 =	sadd.s32 $0x4, s13;
	s24 =	sand.u32 $0x40, s0;
	[tilespmem:s25+$0x100] =	vst v17;
	v17 =	vld.idx.msk [tilespmem:v22+s16+$0x0], $0xffff  }
0x219: {  	s1 =	sand.u32 $0xF80, s0;
	p1 =	slt.u32 s13, $0xB0;
	s5 =	sor.u32 $0x30, s24;
	v19 =	vld.idx.msk [tilespmem:v21+s16+$0x0], $0xffff;
	[tilespmem:s22+$0x100] =	vst v18  }
0x21a: {  	s10 =	sor.u32 $0x10, s24;
	s9 =	sor.u32 $0x20, s24;
	v18 =	vor.u32 $0x200, v2;
	s11 =	sor.u32 s5, s1;
	v13 =	vld.idx.msk [tilespmem:v13+s16+$0x0], $0xffff;
	[tilespmem:s7+$0x100] =	vst v20  }
0x21b: {  	v21 =	vor.u32 $0x200, v1;
	s12 =	sor.u32 s10, s1;
	s1 =	sor.u32 s9, s1;
	v20 =	vld [tilespmem:s11+$0x0];
	[tilespmem:s29+$0xCB80] =	vst v14  }
0x21c: {  	v14 =	vld [tilespmem:s12+$0x0];
	[tilespmem:s26+$0xCB80] =	vst v15  }
0x21d: {  	v15 =	vshll.u32 v23, $0x3;
	v22 =	vld [tilespmem:s1+$0x0];
	[tilespmem:s15+$0xCB80] =	vst v16  }
0x21e: {  	v16 =	vand.u32 $0x7F, v23;
	v15 =	vand.u32 $0xFFFFFC00, v15;
	v12 =	vld.idx.msk [tilespmem:v12+s16+$0x0], $0xffff;
	[tilespmem:s20+$0x180] =	vst v17;
	v17 =	vor.u32 $0x380, v0;
	v0 =	vmovc v1  }
0x21f: {  	p0 =	por !p0, !p0;
	s1 =	simm.s32 $0x1;
	v1 =	vor.u32 v16, v15;
	[tilespmem:s25+$0x180] =	vst v19;
	v15 =	vld.idx.msk [tilespmem:v18+s16+$0x0], $0xffff  }
0x220: {  	s1 =	simm.s32 @!p0 $0x0;
	v16 =	vshll.u32 v20, $0x3;
	v18 =	vld.idx.msk [tilespmem:v21+s16+$0x0], $0xffff;
	[tilespmem:s22+$0x180] =	vst v13  }
0x221: {  	s1 =	sshll.u32 s1, $0x6;
	v13 =	vand.u32 $0x7F, v20;
	v16 =	vand.u32 $0xFFFFFC00, v16;
	v19 =	vld.idx.msk [tilespmem:v11+s16+$0x0], $0xffff;
	v11 =	vor.u32 $0x280, v2  }
0x222: {  	s18 =	sadd.s32 s1, s2;
	v20 =	vshll.u32 v14, $0x3;
	v21 =	vshll.u32 v22, $0x3;
	v16 =	vor.u32 v13, v16;
	v23 =	vld.idx.msk [tilespmem:v3+s16+$0x0], $0xffff;
	v3 =	vmovc v10  }
0x223: {  	s15 =	sadd.s32 $0x10, s18;
	s20 =	sadd.s32 $0x20, s18;
	s11 =	sadd.s32 $0x30, s18;
	v10 =	vand.u32 $0x7F, v14;
	v13 =	vand.u32 $0xFFFFFC00, v20;
	v14 =	vand.u32 $0xFFFFFC00, v21;
	v17 =	vld.idx.msk [tilespmem:v17+s16+$0x0], $0xffff  }
0x224: {  	s22 =	sor.u32 $0x200, s15;
	s1 =	sor.u32 $0x200, s11;
	v10 =	vor.u32 v10, v13;
	v13 =	vand.u32 $0x7F, v22;
	v21 =	vor.u32 $0x280, v0;
	v20 =	vld.idx.msk [tilespmem:v1+s16+$0x0], $0xffff;
	[tilespmem:s7+$0x180] =	vst v12;
	s7 =	sor.u32 $0x200, s20  }
0x225: {  	s12 =	sor.u32 $0x200, s18;
	s23 =	sor.u32 $0x280, s15;
	s21 =	sor.u32 $0x280, s20;
	v22 =	vor.u32 $0x80, v10;
	v24 =	vor.u32 $0x100, v10;
	v14 =	vor.u32 v13, v14;
	v25 =	vld.idx.msk [tilespmem:v9+s16+$0x0], $0xffff;
	[tilespmem:s1+$0xCB80] =	vst v15  }
0x226: {  	s29 =	sor.u32 $0x300, s20;
	v13 =	vor.u32 $0x180, v10;
	v15 =	vor.u32 $0x80, v14;
	v26 =	vor.u32 $0x100, v14;
	s1 =	sor.u32 $0x280, s18;
	[tilespmem:s12+$0xCB80] =	vst v18;
	s12 =	sor.u32 $0x300, s15;
	v18 =	vld.idx.msk [tilespmem:v11+s16+$0x0], $0xffff  }
0x227: {  	s26 =	sor.u32 $0x300, s18;
	s20 =	sor.u32 $0x380, s20;
	v12 =	vor.u32 $0x180, v14;
	v9 =	vor.u32 $0x200, v14;
	v11 =	vor.u32 $0x200, v10;
	s15 =	sor.u32 $0x380, s15;
	v27 =	vld.idx.msk [tilespmem:v16+s16+$0x0], $0xffff;
	[tilespmem:s22+$0xCB80] =	vst v19  }
0x228: {  	v29 =	vor.u32 $0x300, v2;
	s18 =	sor.u32 $0x380, s18;
	v19 =	vor.u32 $0x280, v14;
	v28 =	vld.idx.msk [tilespmem:v8+s16+$0x0], $0xffff;
	v8 =	vor.u32 $0x280, v10;
	[tilespmem:s8+$0xCB80] =	vst v23;
	s8 =	smov.u32 s20  }
0x229: {  	s2 =	sadd.s32 $0x200, s2;
	v32 =	vor.u32 $0x80, v16;
	v30 =	vor.u32 $0x300, v10;
	v31 =	vor.u32 $0x300, v14;
	v23 =	vld.idx.msk [tilespmem:v10+s16+$0x0], $0xffff;
	[tilespmem:s3+$0xCB80] =	vst v17;
	s3 =	smov.u32 s18  }
0x22a: {  	v33 =	vor.u32 $0x380, v10;
	s18 =	sand.u32 $0x7C00, s2;
	v17 =	vor.u32 $0x80, v1;
	v10 =	vor.u32 $0x380, v14;
	v34 =	vld.idx.msk [tilespmem:v14+s16+$0x0], $0xffff  }
0x22b: {  	s18 =	sadd.s32 $0xCB80, s18;
	v35 =	vld.idx.msk [tilespmem:v21+s16+$0x0], $0xffff;
	[tilespmem:s7+$0xCB80] =	vst v25;
	s7 =	sor.u32 $0x280, s11  }
0x22c: {  	s25 =	sor.u32 s24, s18;
	s22 =	sor.u32 s10, s18;
	s20 =	sor.u32 s5, s18;
	v14 =	vld.idx.msk [tilespmem:v7+s16+$0x0], $0xffff;
	[tilespmem:s7+$0xCB80] =	vst v18;
	v7 =	vmov v19  }
0x22d: {  	s7 =	sor.u32 s9, s18;
	[tilespmem:s20+$0x0] =	vst v27;
	v18 =	vld.idx.msk [tilespmem:v29+s16+$0x0], $0xffff  }
0x22e: {  	[tilespmem:s25+$0x0] =	vst v20;
	v19 =	vld.idx.msk [tilespmem:v32+s16+$0x0], $0xffff  }
0x22f: {  	v20 =	vor.u32 $0x380, v2;
	v2 =	vmov v16;
	v17 =	vld.idx.msk [tilespmem:v17+s16+$0x0], $0xffff;
	[tilespmem:s22+$0x0] =	vst v23  }
0x230: {  	v21 =	vor.u32 $0x100, v2;
	v16 =	vld.idx.msk [tilespmem:v22+s16+$0x0], $0xffff;
	[tilespmem:s7+$0x0] =	vst v34  }
0x231: {  	v22 =	vor.u32 $0x100, v1;
	v15 =	vld.idx.msk [tilespmem:v15+s16+$0x0], $0xffff;
	[tilespmem:s23+$0xCB80] =	vst v28  }
0x232: {  	s5 =	sor.u32 $0x300, s11;
	v23 =	vld.idx.msk [tilespmem:v6+s16+$0x0], $0xffff;
	[tilespmem:s21+$0xCB80] =	vst v14;
	v6 =	vmov v30  }
0x233: {  	v14 =	vld.idx.msk [tilespmem:v5+s16+$0x0], $0xffff;
	[tilespmem:s5+$0xCB80] =	vst v18;
	v5 =	vmov v31  }
0x234: {  	v25 =	vor.u32 $0x300, v0;
	[tilespmem:s20+$0x80] =	vst v19;
	v27 =	vld.idx.msk [tilespmem:v20+s16+$0x0], $0xffff  }
0x235: {  	[tilespmem:s25+$0x80] =	vst v17;
	v19 =	vld.idx.msk [tilespmem:v21+s16+$0x0], $0xffff  }
.Ltmp4:
0x236: {  	v17 =	vld.idx.msk [tilespmem:v22+s16+$0x0], $0xffff;
	[tilespmem:s22+$0x80] =	vst v16;
	(pc) =	sbr.rel @p1 .LBB2_10-.Ltmp4, $4  }
0x237: {  	v22 =	vor.u32 $0x180, v2;
	v18 =	vld.idx.msk [tilespmem:v24+s16+$0x0], $0xffff;
	[tilespmem:s7+$0x80] =	vst v15  }
0x238: {  	v21 =	vor.u32 $0x180, v1;
	v20 =	vld.idx.msk [tilespmem:v26+s16+$0x0], $0xffff;
	[tilespmem:s1+$0xCB80] =	vst v35  }
0x239: {  	s1 =	sor.u32 $0x380, s11;
	v15 =	vld.idx.msk [tilespmem:v25+s16+$0x0], $0xffff;
	[tilespmem:s12+$0xCB80] =	vst v23  }
0x23a: {  	s14 =	sadd.s32 $0x40, s14;
	v16 =	vld.idx.msk [tilespmem:v4+s16+$0x0], $0xffff;
	[tilespmem:s1+$0xCB80] =	vst v27;
	v4 =	vmov v33  }
0x23b: {  	_ =	sdelay $0x2  }
0x23c: {  	[tilespmem:s20+$0x100] =	vst v19  }
0x23d: {  	[tilespmem:s25+$0x100] =	vst v17;
	v19 =	vld.idx.msk [tilespmem:v22+s16+$0x0], $0xffff  }
0x23e: {  	v53 =	vor.u32 $0x200, v2;
	[tilespmem:s22+$0x100] =	vst v18;
	v17 =	vld.idx.msk [tilespmem:v21+s16+$0x0], $0xffff  }
0x23f: {  	v54 =	vor.u32 $0x200, v1;
	v13 =	vld.idx.msk [tilespmem:v13+s16+$0x0], $0xffff;
	[tilespmem:s7+$0x100] =	vst v20  }
0x240: {  	v12 =	vld.idx.msk [tilespmem:v12+s16+$0x0], $0xffff;
	_ =	sdelay $0x1  }
0x241: {  	p0 =	por !p0, !p0;
	s0 =	simm.s32 $0x1;
	[tilespmem:s20+$0x180] =	vst v19  }
0x242: {  	s0 =	simm.s32 @!p0 $0x0;
	[tilespmem:s25+$0x180] =	vst v17;
	v18 =	vld.idx.msk [tilespmem:v53+s16+$0x0], $0xffff  }
0x243: {  	v55 =	vor.u32 $0x280, v2;
	s0 =	sshll.u32 s0, $0x6;
	[tilespmem:s22+$0x180] =	vst v13;
	v56 =	vld.idx.msk [tilespmem:v54+s16+$0x0], $0xffff  }
0x244: {  	v57 =	vor.u32 $0x280, v1;
	s0 =	sadd.s32 s0, s2;
	v11 =	vld.idx.msk [tilespmem:v11+s16+$0x0], $0xffff;
	[tilespmem:s7+$0x180] =	vst v12  }
0x245: {  	s1 =	sadd.s32 $0x30, s0;
	v9 =	vld.idx.msk [tilespmem:v9+s16+$0x0], $0xffff  }
0x246: {  	s5 =	sor.u32 $0x200, s1  }
0x247: {  	s2 =	sadd.s32 $0x10, s0;
	s12 =	sor.u32 $0x200, s0;
	[tilespmem:s5+$0xCB80] =	vst v18  }
0x248: {  	s10 =	sadd.s32 $0x20, s0;
	s9 =	sor.u32 $0x200, s2;
	[tilespmem:s12+$0xCB80] =	vst v56;
	v13 =	vld.idx.msk [tilespmem:v55+s16+$0x0], $0xffff  }
0x249: {  	v58 =	vor.u32 $0x300, v2;
	s11 =	sor.u32 $0x200, s10;
	[tilespmem:s9+$0xCB80] =	vst v11;
	v59 =	vld.idx.msk [tilespmem:v57+s16+$0x0], $0xffff  }
0x24a: {  	v60 =	vor.u32 $0x300, v1;
	v8 =	vld.idx.msk [tilespmem:v8+s16+$0x0], $0xffff;
	[tilespmem:s11+$0xCB80] =	vst v9  }
0x24b: {  	v7 =	vld.idx.msk [tilespmem:v7+s16+$0x0], $0xffff  }
0x24c: {  	[tilespmem:s29+$0xCB80] =	vst v14;
	s13 =	sor.u32 $0x280, s1  }
0x24d: {  	s20 =	sor.u32 $0x280, s0;
	[tilespmem:s13+$0xCB80] =	vst v13  }
0x24e: {  	v0 =	vor.u32 $0x380, v0;
	s14 =	sor.u32 $0x280, s2;
	[tilespmem:s20+$0xCB80] =	vst v59;
	v11 =	vld.idx.msk [tilespmem:v58+s16+$0x0], $0xffff  }
0x24f: {  	v61 =	vor.u32 $0x380, v2;
	s18 =	sor.u32 $0x280, s10;
	[tilespmem:s14+$0xCB80] =	vst v8;
	v62 =	vld.idx.msk [tilespmem:v60+s16+$0x0], $0xffff  }
0x250: {  	v63 =	vor.u32 $0x380, v1;
	v6 =	vld.idx.msk [tilespmem:v6+s16+$0x0], $0xffff;
	[tilespmem:s18+$0xCB80] =	vst v7  }
0x251: {  	[tilespmem:s26+$0xCB80] =	vst v15;
	v5 =	vld.idx.msk [tilespmem:v5+s16+$0x0], $0xffff  }
0x252: {  	v3 =	vld.idx.msk [tilespmem:v3+s16+$0x0], $0xffff;
	[tilespmem:s15+$0xCB80] =	vst v16;
	s21 =	sor.u32 $0x300, s1  }
0x253: {  	s24 =	sor.u32 $0x300, s0;
	v0 =	vld.idx.msk [tilespmem:v0+s16+$0x0], $0xffff;
	[tilespmem:s21+$0xCB80] =	vst v11  }
0x254: {  	s22 =	sor.u32 $0x300, s2;
	[tilespmem:s24+$0xCB80] =	vst v62;
	v2 =	vld.idx.msk [tilespmem:v61+s16+$0x0], $0xffff  }
0x255: {  	s23 =	sor.u32 $0x300, s10;
	[tilespmem:s22+$0xCB80] =	vst v6;
	v1 =	vld.idx.msk [tilespmem:v63+s16+$0x0], $0xffff  }
0x256: {  	v4 =	vld.idx.msk [tilespmem:v4+s16+$0x0], $0xffff;
	[tilespmem:s23+$0xCB80] =	vst v5  }
0x257: {  	[tilespmem:s8+$0xCB80] =	vst v3;
	v5 =	vld.idx.msk [tilespmem:v10+s16+$0x0], $0xffff  }
0x258: {  	s1 =	sor.u32 $0x380, s1;
	[tilespmem:s3+$0xCB80] =	vst v0  }
0x259: {  	s0 =	sor.u32 $0x380, s0;
	[tilespmem:s1+$0xCB80] =	vst v2  }
0x25a: {  	s2 =	sor.u32 $0x380, s2;
	[tilespmem:s0+$0xCB80] =	vst v1  }
0x25b: {  	s25 =	sor.u32 $0x380, s10;
	[tilespmem:s2+$0xCB80] =	vst v4  }
0x25c: {  	[tilespmem:s25+$0xCB80] =	vst v5  }
0x25d: {  	s26 =	simm.s32 $0xCB80;
	s0 =	rddreg [dreg:$0xb]  }
0x25e: {  	[hbm4b:s0+s4] =	stream.linear.scatter [tilespmem:s26], [sflag:$0x4], $0x5C00, $0x38;
	[tilespmem:$0x1DF80] =	vst v63  }
0x25f: {  	_ =	swait.ge [sflag:s28], $0x5C00  }
0x260: {  	[sflag:s28] =	ssyncset.done $0x0  }
0x261: {  	[sflag:s28] =	ssyncadd.s32 $0xFFFFA400;
	s28 =	simm.s32 $0x5  }
0x262: {  	_ =	swait.ge [sflag:s28], $0x5C00  }
0x263: {  	[sflag:s28] =	ssyncset.done $0x0  }
0x264: {  	s29 =	simm.s32 $0x6;
	[sflag:s28] =	ssyncadd.s32 $0xFFFFA400  }
0x265: {  	_ =	swait.ge [sflag:s29], $0x5C00  }
0x266: {  	s30 =	rddreg [dreg:$0xd]  }
0x267: {  	s31 =	rddreg [dreg:$0xc];
	s2 =	sadd.s32 $0x1, s30  }
0x268: {  	p0 =	sne.s32 s2, s31  }
.Ltmp5:
0x269: {  	_ = 	snop;
	(pc) =	sbr.rel @p0 .LBB2_1-.Ltmp5, $3  }
0x26a: {  	_ =	sdelay $0x1  }
0x26b: {  	[sflag:s29] =	ssyncset.done $0x0  }
0x26c: {  	[sflag:s29] =	ssyncadd.s32 $0xFFFFA400  }
0x26d: {  	_ =	sfence.sel $0x180000  }
0x26e: {  	[bflag:$0x0] =	sbarrier.arrive $0xFFFF  }
0x26f: {  	_ =	strace $0x90000047  }
0x270: {  	s0 =	stileid.u32;
	[bflag:$0x2] =	sbarrier.arrive $0xFFFF  }
0x271: {  	p0 =	sne.s32 s0, $0x0;
	s0 =	rddreg [dreg:$0x3]  }
0x272: {  	s0 =	sadd.s32 @!p0 $0x100000, s0  }
0x273: {  	[sflag:s0] =	ssyncadd.tile.s32 @!p0 $0x1;
	_ =	shalt  }
.Lfunc_end2:
_tile_overlayer_lowered:
.L_overlay_start_2:
0x274: {  	(tag) =	ssettag $0x2  }
0x275: {  	s0 =	rddreg [dreg:$0x0];
	s2 =	stileid.u32  }
0x276: {  	s1 =	rddreg [dreg:$0x1];
	p0 =	sne.s32 s2, $0x0  }
0x277: {  	s3 =	rddreg [dreg:$0x2];
	[bflag:$0x3] =	sbarrier.arrive $0xFFFF;
	s2 =	simm.s32 @!p0 $0x1C07  }
0x278: {  	[timem:s3], [sflag:s2] =	dma.local @!p0 [hbm:s0], s1  }
0x279: {  	s0 =	simm.s32 @!p0 $0x7  }
0x27a: {  	_ =	swait.ge @!p0 [sflag:s0], s1  }
0x27b: {  	s1 =	ssub.s32 @!p0 $0x0, s1;
	[sflag:s0] =	ssyncset.done @!p0 $0x0  }
0x27c: {  	[sflag:s0] =	ssyncadd.s32 @!p0 s1  }
0x27d: {  	[bflag:$0x3] =	sbarrier.arrive $0xFFFF  }
0x27e: {  	_ =	shalt  }

</sc_bundles>
